<compile_context>
chip_gen: v7x
topology: tpu7x:2x2x1
jax: 0.10.2.dev20260603
libtpu: 0.0.44.dev20260713+nightly
codegen_flags: <defaults>
</compile_context>

<pallas_src>
import functools

import jax
import jax.numpy as jnp
from jax import lax
from jax.experimental import pallas as pl
from jax.experimental.pallas import tpu as pltpu
from jax.experimental.pallas import tpu_sc as plsc

N = 262144
K = 256
XMIN = -3.0
XMAX = 3.0
L = 16
NC = 2
NS = 16
NW = NC * NS
CHUNK = N // NW
STEPS = CHUNK // L
NPARAM = 3 * K + L
BIAS = 2048.0


def _sc_body(x_hbm, par_hbm, out_hbm, x_v, out_v, gw_v, y_v, p_v,
             a0_v, a1_v, a2_v, a3_v, sem1, sem2):
    wid = lax.axis_index("s") * NC + lax.axis_index("c")
    base = wid * CHUNK

    cp_par = pltpu.async_copy(par_hbm, p_v, sem1)
    cp_x = pltpu.async_copy(x_hbm.at[pl.ds(base, CHUNK)], x_v, sem2)
    cp_par.wait()

    def tbl(j, carry):
        sgw, sbw = carry
        gv = p_v[pl.ds(j * L, L)]
        bv = p_v[pl.ds(K + j * L, L)]
        wv = p_v[pl.ds(2 * K + j * L, L)]
        gw = gv * wv
        gw_v[pl.ds(j * L, L)] = gw * (1.0 / 6.0)
        return (sgw + gw, sbw + bv * wv)

    z = jnp.zeros((L,), jnp.float32)
    sgw_v, sbw_v = lax.fori_loop(0, K // L, tbl, (z, z))

    def ytbl(j, _):
        lane = lax.iota(jnp.int32, L).astype(jnp.float32)
        fr = (lane + (j * L + 0.5)) * (1.0 / K)
        om = 1.0 - fr
        f2 = fr * fr
        f3 = f2 * fr
        b0 = om * om * om * (1.0 / 6.0)
        b3 = f3 * (1.0 / 6.0)
        b1 = 0.5 * f3 - f2 + (2.0 / 3.0)
        b2 = 1.0 - b0 - b1 - b3
        var = (b0 * b0 + b1 * b1 + b2 * b2 + b3 * b3) * (1.0 / K) \
            + (1e-5 - (1.0 / K) ** 2)
        vb = lax.bitcast_convert_type(var, jnp.int32)
        y = lax.bitcast_convert_type(
            0x5F3759DF - lax.shift_right_logical(vb, 1), jnp.float32)
        y = y * (1.5 - 0.5 * var * y * y)
        y = y * (1.5 - 0.5 * var * y * y)
        y_v[pl.ds(j * L, L)] = y
        return 0

    lax.fori_loop(0, K // L, ytbl, 0)

    hbv = p_v[pl.ds(3 * K, L)]
    s_gw = sgw_v[0]
    for q in range(1, L):
        s_gw = s_gw + sgw_v[q]
    s_bw = hbv[0]
    for q in range(L):
        s_bw = s_bw + sbw_v[q]
    a_const = s_gw * (1.0 / K)

    gw_v[pl.ds(K, L)] = gw_v[pl.ds(0, L)]

    def atbl(j, _):
        g0 = gw_v[pl.ds(j * L, L)]
        g1 = gw_v[pl.ds(j * L + 1, L)]
        g2 = gw_v[pl.ds(j * L + 2, L)]
        g3 = gw_v[pl.ds(j * L + 3, L)]
        s = g0 + g2
        a0_v[pl.ds(j * L, L)] = s + 4.0 * g1 - a_const
        a1_v[pl.ds(j * L, L)] = 3.0 * (g2 - g0)
        a2_v[pl.ds(j * L, L)] = 3.0 * s - 6.0 * g1
        a3_v[pl.ds(j * L, L)] = (g3 - g0) + 3.0 * (g1 - g2)
        return 0

    lax.fori_loop(0, K // L, atbl, 0)

    vscale = K * K / (XMAX - XMIN + 1e-8)
    vshift = (-XMIN * K / (XMAX - XMIN + 1e-8) + BIAS) * K

    def step(i):
        xv = x_v[pl.ds(i * L, L)]
        v = xv * vscale + vshift
        iv = v.astype(jnp.int32)
        fr = (v - jnp.bitwise_and(iv, -256).astype(jnp.float32)) * (1.0 / K)
        c0 = jnp.bitwise_and(lax.shift_right_logical(iv, 8), K - 1)
        jj = jnp.bitwise_and(iv, K - 1)
        a0 = plsc.load_gather(a0_v, [c0])
        a1 = plsc.load_gather(a1_v, [c0])
        a2 = plsc.load_gather(a2_v, [c0])
        a3 = plsc.load_gather(a3_v, [c0])
        y = plsc.load_gather(y_v, [jj])
        dot = ((a3 * fr + a2) * fr + a1) * fr + a0
        out_v[pl.ds(i * L, L)] = dot * y + s_bw

    cp_x.wait()
    plsc.parallel_loop(0, STEPS, unroll=8)(step)
    pltpu.sync_copy(out_v, out_hbm.at[pl.ds(base, CHUNK)])


@functools.cache
def _make_kan1d_sc():
    mesh = plsc.VectorSubcoreMesh(core_axis_name="c", subcore_axis_name="s",
                                  num_cores=NC, num_subcores=NS)
    return pl.kernel(
        _sc_body,
        out_type=jax.ShapeDtypeStruct((N,), jnp.float32),
        mesh=mesh,
        scratch_types=[
            pltpu.VMEM((CHUNK,), jnp.float32),
            pltpu.VMEM((CHUNK,), jnp.float32),
            pltpu.VMEM((K + L,), jnp.float32),
            pltpu.VMEM((K,), jnp.float32),
            pltpu.VMEM((NPARAM,), jnp.float32),
            pltpu.VMEM((K,), jnp.float32),
            pltpu.VMEM((K,), jnp.float32),
            pltpu.VMEM((K,), jnp.float32),
            pltpu.VMEM((K,), jnp.float32),
            pltpu.SemaphoreType.DMA,
            pltpu.SemaphoreType.DMA,
        ],
        compiler_params=pltpu.CompilerParams(needs_layout_passes=False),
    )


def kernel(x, norm_weight, norm_bias, head_w, head_b):
    x_flat = x.reshape(N)
    params = jnp.concatenate(
        [norm_weight, norm_bias, head_w.reshape(K),
         jnp.pad(head_b, (0, L - 1))])
    out = _make_kan1d_sc()(x_flat, params)
    return out.reshape(N, 1)

# --- scband reference (transcript-rebuilt; emitter-appended) ---
"""Pipeline reference for scband-kan1-d-62328565399938 (READ-ONLY COPY).

The authoritative reference and input builder live on the scoring server;
editing this copy changes nothing except your own understanding.
"""

import jax, jax.numpy as jnp
import numpy as np

N = 262144
K = 256
XMIN = -3.0
XMAX = 3.0

def cubic_bspline(t):
    t0 = (1 - t) ** 3 / 6.0
    t1 = (3 * t ** 3 - 6 * t ** 2 + 4) / 6.0
    t2 = (-3 * t ** 3 + 3 * t ** 2 + 3 * t + 1) / 6.0
    t3 = t ** 3 / 6.0
    return jnp.stack([t0, t1, t2, t3], axis=-1)

def setup_inputs(seed: int = 0) -> dict:
    key = jax.random.key(seed)
    k1, k2 = jax.random.split(key, 2)
    x = jax.random.normal(k1, (N, 1), dtype=jnp.float32)
    norm_weight = jnp.ones((K,), dtype=jnp.float32)
    norm_bias = jnp.zeros((K,), dtype=jnp.float32)
    # xavier_uniform with gain=2.0 for Linear(K, 1): bound = 2*sqrt(6/(K+1))
    bound = 2.0 * float(np.sqrt(6.0 / (K + 1)))
    head_w = jax.random.uniform(k2, (1, K), dtype=jnp.float32, minval=-bound, maxval=bound)
    head_b = jnp.zeros((1,), dtype=jnp.float32)
    return {"x": x, "norm_weight": norm_weight, "norm_bias": norm_bias, "head_w": head_w, "head_b": head_b}

def reference(x, norm_weight, norm_bias, head_w, head_b):
    n = x.shape[0]
    x0 = (x - XMIN) / (XMAX - XMIN + 1e-08)
    u = x0 * K
    u = jnp.remainder(u, K)
    i = jnp.floor(u).astype(jnp.int32)
    frac = (u - i.astype(u.dtype)).squeeze(-1)
    B = cubic_bspline(frac)
    base = i.squeeze(-1)
    rows = jnp.arange(n)
    feats = jnp.zeros((n, K), dtype=x.dtype)
    for j in range(4):
        idx = (base + j) % K
        feats = feats.at[rows, idx].add(B[:, j])
    # LayerNorm over last dim, eps=1e-5, biased variance (matches torch)
    mean = jnp.mean(feats, axis=-1, keepdims=True)
    var = jnp.var(feats, axis=-1, keepdims=True)
    feats = (feats - mean) / jnp.sqrt(var + 1e-5) * norm_weight + norm_bias
    # head: Linear(K, 1)
    out = feats @ head_w.T + head_b
    return out

if __name__ == "__main__":
    import jax
    _d = setup_inputs()
    print(jax.jit(kernel)(*tuple(_d.values())))

</pallas_src>

<mosaic_0001>
#map = affine_map<(d0, d1) -> (0)>
module attributes {stable_mosaic.version = 14 : i64} {
  func.func @_sc_body(%arg0: i32, %arg1: i32, %arg2: memref<262144xf32, #tpu.memory_space<hbm>>, %arg3: memref<784xf32, #tpu.memory_space<hbm>>, %arg4: memref<262144xf32, #tpu.memory_space<hbm>>, %arg5: memref<8192xf32, #tpu.memory_space<vmem>>, %arg6: memref<8192xf32, #tpu.memory_space<vmem>>, %arg7: memref<272xf32, #tpu.memory_space<vmem>>, %arg8: memref<256xf32, #tpu.memory_space<vmem>>, %arg9: memref<784xf32, #tpu.memory_space<vmem>>, %arg10: memref<256xf32, #tpu.memory_space<vmem>>, %arg11: memref<256xf32, #tpu.memory_space<vmem>>, %arg12: memref<256xf32, #tpu.memory_space<vmem>>, %arg13: memref<256xf32, #tpu.memory_space<vmem>>, %arg14: memref<!tpu.dma_semaphore, #tpu.memory_space<semaphore_mem>>, %arg15: memref<!tpu.dma_semaphore, #tpu.memory_space<semaphore_mem>>) attributes {dimension_semantics = [#tpu.dimension_semantics<core_parallel>, #tpu.dimension_semantics<subcore_parallel>], iteration_bounds = array<i64: 2, 16>, scalar_prefetch = 0 : i64, scratch_operands = 11 : i64, tpu.core_type = #tpu.core_type<sc_vector_subcore>, window_params = [{transform_indices = #map}, {transform_indices = #map}, {transform_indices = #map}]} {
    %mul3A = arith.constant 2 : i32
    %mul3A_0 = arith.muli %arg1, %mul3A : i32
    %add3A = arith.addi %mul3A_0, %arg0 : i32
    %mul3A_1 = arith.constant 8192 : i32
    %mul3A_2 = arith.muli %add3A, %mul3A_1 : i32
    tpu.enqueue_dma source(%arg3 : memref<784xf32, #tpu.memory_space<hbm>>) target(%arg9 : memref<784xf32, #tpu.memory_space<vmem>>) target_semaphore(%arg14 : memref<!tpu.dma_semaphore, #tpu.memory_space<semaphore_mem>>)
    %dma_start3A = tpu.memref_slice %arg2[%mul3A_2] : memref<262144xf32, #tpu.memory_space<hbm>> -> memref<8192xf32, #tpu.memory_space<hbm>>
    %dma_start3A_3 = tpu.memref_slice %arg2[%mul3A_2] : memref<262144xf32, #tpu.memory_space<hbm>> -> memref<8192xf32, #tpu.memory_space<hbm>>
    tpu.enqueue_dma source(%dma_start3A_3 : memref<8192xf32, #tpu.memory_space<hbm>>) target(%arg5 : memref<8192xf32, #tpu.memory_space<vmem>>) target_semaphore(%arg15 : memref<!tpu.dma_semaphore, #tpu.memory_space<semaphore_mem>>)
    tpu.wait_dma2 semaphore(%arg14 : memref<!tpu.dma_semaphore, #tpu.memory_space<semaphore_mem>>) src(%arg3 : memref<784xf32, #tpu.memory_space<hbm>>) dst(%arg9 : memref<784xf32, #tpu.memory_space<vmem>>)
    %broadcast_in_dim3A = arith.constant 0.000000e+00 : f32
    %broadcast_in_dim3A_4 = vector.broadcast %broadcast_in_dim3A : f32 to vector<16xf32>
    %scan3A = arith.constant 0 : i32
    %scan3A_5 = arith.constant 16 : i32
    %scan3A_6 = arith.addi %scan3A, %scan3A_5 : i32
    %scan3A_7 = arith.constant 1 : i32
    %scan3A_8:2 = scf.for %scan3A_128 = %scan3A to %scan3A_6 step %scan3A_7 iter_args(%scan3A_129 = %broadcast_in_dim3A_4, %scan3A_130 = %broadcast_in_dim3A_4) -> (vector<16xf32>, vector<16xf32>)  : i32 {
      %mul3A_131 = arith.constant 16 : i32
      %mul3A_132 = arith.muli %scan3A_128, %mul3A_131 : i32
      %get3A_133 = arith.index_cast %mul3A_132 : i32 to index
      %get3A_134 = tpu.vector_load %arg9[%get3A_133] {strides = array<i32>} : memref<784xf32, #tpu.memory_space<vmem>>, vector<16xf32>,
      %mul3A_135 = arith.constant 16 : i32
      %mul3A_136 = arith.muli %scan3A_128, %mul3A_135 : i32
      %add3A_137 = arith.constant 256 : i32
      %add3A_138 = arith.addi %add3A_137, %mul3A_136 : i32
      %get3A_139 = arith.index_cast %add3A_138 : i32 to index
      %get3A_140 = tpu.vector_load %arg9[%get3A_139] {strides = array<i32>} : memref<784xf32, #tpu.memory_space<vmem>>, vector<16xf32>,
      %mul3A_141 = arith.constant 16 : i32
      %mul3A_142 = arith.muli %scan3A_128, %mul3A_141 : i32
      %add3A_143 = arith.constant 512 : i32
      %add3A_144 = arith.addi %add3A_143, %mul3A_142 : i32
      %get3A_145 = arith.index_cast %add3A_144 : i32 to index
      %get3A_146 = tpu.vector_load %arg9[%get3A_145] {strides = array<i32>} : memref<784xf32, #tpu.memory_space<vmem>>, vector<16xf32>,
      %mul3A_147 = arith.mulf %get3A_134, %get3A_146 : vector<16xf32>
      %mul3A_148 = arith.constant 0.166666672 : f32
      %mul3A_149 = vector.broadcast %mul3A_148 : f32 to vector<16xf32>
      %mul3A_150 = arith.mulf %mul3A_147, %mul3A_149 : vector<16xf32>
      %mul3A_151 = arith.constant 16 : i32
      %mul3A_152 = arith.muli %scan3A_128, %mul3A_151 : i32
      %swap3A_153 = arith.index_cast %mul3A_152 : i32 to index
      %swap3A_154 = tpu.vector_load %arg7[%swap3A_153] {strides = array<i32>} : memref<272xf32, #tpu.memory_space<vmem>>, vector<16xf32>,
      tpu.vector_store %arg7[%swap3A_153], %mul3A_150 {strides = array<i32>} : memref<272xf32, #tpu.memory_space<vmem>>, vector<16xf32>,
      %add3A_155 = arith.addf %scan3A_129, %mul3A_147 : vector<16xf32>
      %mul3A_156 = arith.mulf %get3A_140, %get3A_146 : vector<16xf32>
      %add3A_157 = arith.addf %scan3A_130, %mul3A_156 : vector<16xf32>
      scf.yield %add3A_155, %add3A_157 : vector<16xf32>, vector<16xf32>
    }
    %scan3A_9 = arith.constant 16 : i32
    %scan3A_10 = arith.constant 0 : i32
    %scan3A_11 = arith.constant 0 : i32
    %scan3A_12 = arith.constant 16 : i32
    %scan3A_13 = arith.addi %scan3A_11, %scan3A_12 : i32
    %scan3A_14 = arith.constant 1 : i32
    %scan3A_15 = scf.for %scan3A_128 = %scan3A_11 to %scan3A_13 step %scan3A_14 iter_args(%scan3A_129 = %scan3A_10) -> (i32)  : i32 {
      %iota3A = tpu.iota {dimensions = array<i32: 0>} : vector<16xi32>
      %convert_element_type3A = arith.sitofp %iota3A : vector<16xi32> to vector<16xf32>
      %mul3A_130 = arith.constant 16 : i32
      %mul3A_131 = arith.muli %scan3A_128, %mul3A_130 : i32
      %convert_element_type3A_132 = arith.sitofp %mul3A_131 : i32 to f32
      %add3A_133 = arith.constant 5.000000e-01 : f32
      %add3A_134 = arith.addf %convert_element_type3A_132, %add3A_133 : f32
      %add3A_135 = vector.broadcast %add3A_134 : f32 to vector<16xf32>
      %add3A_136 = arith.addf %convert_element_type3A, %add3A_135 : vector<16xf32>
      %mul3A_137 = arith.constant 3.906250e-03 : f32
      %mul3A_138 = vector.broadcast %mul3A_137 : f32 to vector<16xf32>
      %mul3A_139 = arith.mulf %add3A_136, %mul3A_138 : vector<16xf32>
      %sub3A = arith.constant 1.000000e+00 : f32
      %sub3A_140 = vector.broadcast %sub3A : f32 to vector<16xf32>
      %sub3A_141 = arith.subf %sub3A_140, %mul3A_139 : vector<16xf32>
      %mul3A_142 = arith.mulf %mul3A_139, %mul3A_139 : vector<16xf32>
      %mul3A_143 = arith.mulf %mul3A_142, %mul3A_139 : vector<16xf32>
      %mul3A_144 = arith.mulf %sub3A_141, %sub3A_141 : vector<16xf32>
      %mul3A_145 = arith.mulf %mul3A_144, %sub3A_141 : vector<16xf32>
      %mul3A_146 = arith.constant 0.166666672 : f32
      %mul3A_147 = vector.broadcast %mul3A_146 : f32 to vector<16xf32>
      %mul3A_148 = arith.mulf %mul3A_145, %mul3A_147 : vector<16xf32>
      %mul3A_149 = arith.constant 0.166666672 : f32
      %mul3A_150 = vector.broadcast %mul3A_149 : f32 to vector<16xf32>
      %mul3A_151 = arith.mulf %mul3A_143, %mul3A_150 : vector<16xf32>
      %mul3A_152 = arith.constant 5.000000e-01 : f32
      %mul3A_153 = vector.broadcast %mul3A_152 : f32 to vector<16xf32>
      %mul3A_154 = arith.mulf %mul3A_153, %mul3A_143 : vector<16xf32>
      %sub3A_155 = arith.subf %mul3A_154, %mul3A_142 : vector<16xf32>
      %add3A_156 = arith.constant 0.666666686 : f32
      %add3A_157 = vector.broadcast %add3A_156 : f32 to vector<16xf32>
      %add3A_158 = arith.addf %sub3A_155, %add3A_157 : vector<16xf32>
      %sub3A_159 = arith.constant 1.000000e+00 : f32
      %sub3A_160 = vector.broadcast %sub3A_159 : f32 to vector<16xf32>
      %sub3A_161 = arith.subf %sub3A_160, %mul3A_148 : vector<16xf32>
      %sub3A_162 = arith.subf %sub3A_161, %add3A_158 : vector<16xf32>
      %sub3A_163 = arith.subf %sub3A_162, %mul3A_151 : vector<16xf32>
      %mul3A_164 = arith.mulf %mul3A_148, %mul3A_148 : vector<16xf32>
      %mul3A_165 = arith.mulf %add3A_158, %add3A_158 : vector<16xf32>
      %add3A_166 = arith.addf %mul3A_164, %mul3A_165 : vector<16xf32>
      %mul3A_167 = arith.mulf %sub3A_163, %sub3A_163 : vector<16xf32>
      %add3A_168 = arith.addf %add3A_166, %mul3A_167 : vector<16xf32>
      %mul3A_169 = arith.mulf %mul3A_151, %mul3A_151 : vector<16xf32>
      %add3A_170 = arith.addf %add3A_168, %mul3A_169 : vector<16xf32>
      %mul3A_171 = arith.constant 3.906250e-03 : f32
      %mul3A_172 = vector.broadcast %mul3A_171 : f32 to vector<16xf32>
      %mul3A_173 = arith.mulf %add3A_170, %mul3A_172 : vector<16xf32>
      %add3A_174 = arith.constant -5.25878886E-6 : f32
      %add3A_175 = vector.broadcast %add3A_174 : f32 to vector<16xf32>
      %add3A_176 = arith.addf %mul3A_173, %add3A_175 : vector<16xf32>
      %bitcast_convert_type3A = tpu.bitcast %add3A_176 : vector<16xf32> -> vector<16xi32>
      %shift_right_logical3A = arith.constant 1 : i32
      %shift_right_logical3A_177 = vector.broadcast %shift_right_logical3A : i32 to vector<16xi32>
      %shift_right_logical3A_178 = arith.shrui %bitcast_convert_type3A, %shift_right_logical3A_177 : vector<16xi32>
      %sub3A_179 = arith.constant 1597463007 : i32
      %sub3A_180 = vector.broadcast %sub3A_179 : i32 to vector<16xi32>
      %sub3A_181 = arith.subi %sub3A_180, %shift_right_logical3A_178 : vector<16xi32>
      %bitcast_convert_type3A_182 = tpu.bitcast %sub3A_181 : vector<16xi32> -> vector<16xf32>
      %mul3A_183 = arith.constant 5.000000e-01 : f32
      %mul3A_184 = vector.broadcast %mul3A_183 : f32 to vector<16xf32>
      %mul3A_185 = arith.mulf %mul3A_184, %add3A_176 : vector<16xf32>
      %mul3A_186 = arith.mulf %mul3A_185, %bitcast_convert_type3A_182 : vector<16xf32>
      %mul3A_187 = arith.mulf %mul3A_186, %bitcast_convert_type3A_182 : vector<16xf32>
      %sub3A_188 = arith.constant 1.500000e+00 : f32
      %sub3A_189 = vector.broadcast %sub3A_188 : f32 to vector<16xf32>
      %sub3A_190 = arith.subf %sub3A_189, %mul3A_187 : vector<16xf32>
      %mul3A_191 = arith.mulf %bitcast_convert_type3A_182, %sub3A_190 : vector<16xf32>
      %mul3A_192 = arith.constant 5.000000e-01 : f32
      %mul3A_193 = vector.broadcast %mul3A_192 : f32 to vector<16xf32>
      %mul3A_194 = arith.mulf %mul3A_193, %add3A_176 : vector<16xf32>
      %mul3A_195 = arith.mulf %mul3A_194, %mul3A_191 : vector<16xf32>
      %mul3A_196 = arith.mulf %mul3A_195, %mul3A_191 : vector<16xf32>
      %sub3A_197 = arith.constant 1.500000e+00 : f32
      %sub3A_198 = vector.broadcast %sub3A_197 : f32 to vector<16xf32>
      %sub3A_199 = arith.subf %sub3A_198, %mul3A_196 : vector<16xf32>
      %mul3A_200 = arith.mulf %mul3A_191, %sub3A_199 : vector<16xf32>
      %mul3A_201 = arith.constant 16 : i32
      %mul3A_202 = arith.muli %scan3A_128, %mul3A_201 : i32
      %swap3A_203 = arith.index_cast %mul3A_202 : i32 to index
      %swap3A_204 = tpu.vector_load %arg8[%swap3A_203] {strides = array<i32>} : memref<256xf32, #tpu.memory_space<vmem>>, vector<16xf32>,
      tpu.vector_store %arg8[%swap3A_203], %mul3A_200 {strides = array<i32>} : memref<256xf32, #tpu.memory_space<vmem>>, vector<16xf32>,
      %scan3A_205 = arith.constant 0 : i32
      scf.yield %scan3A_205 : i32
    }
    %scan3A_16 = arith.constant 16 : i32
    %get3A = arith.constant 768 : index
    %get3A_17 = tpu.vector_load %arg9[%get3A] {strides = array<i32>} : memref<784xf32, #tpu.memory_space<vmem>>, vector<16xf32>,
    %slice3A = vector.extract_strided_slice %scan3A_8#0 {offsets = [0], sizes = [1], strides = [1]} : vector<16xf32> to vector<1xf32>
    %squeeze3A = vector.extract %slice3A[0] : f32 from vector<1xf32>
    %slice3A_18 = vector.extract_strided_slice %scan3A_8#0 {offsets = [1], sizes = [1], strides = [1]} : vector<16xf32> to vector<1xf32>
    %squeeze3A_19 = vector.extract %slice3A_18[0] : f32 from vector<1xf32>
    %add3A_20 = arith.addf %squeeze3A, %squeeze3A_19 : f32
    %slice3A_21 = vector.extract_strided_slice %scan3A_8#0 {offsets = [2], sizes = [1], strides = [1]} : vector<16xf32> to vector<1xf32>
    %squeeze3A_22 = vector.extract %slice3A_21[0] : f32 from vector<1xf32>
    %add3A_23 = arith.addf %add3A_20, %squeeze3A_22 : f32
    %slice3A_24 = vector.extract_strided_slice %scan3A_8#0 {offsets = [3], sizes = [1], strides = [1]} : vector<16xf32> to vector<1xf32>
    %squeeze3A_25 = vector.extract %slice3A_24[0] : f32 from vector<1xf32>
    %add3A_26 = arith.addf %add3A_23, %squeeze3A_25 : f32
    %slice3A_27 = vector.extract_strided_slice %scan3A_8#0 {offsets = [4], sizes = [1], strides = [1]} : vector<16xf32> to vector<1xf32>
    %squeeze3A_28 = vector.extract %slice3A_27[0] : f32 from vector<1xf32>
    %add3A_29 = arith.addf %add3A_26, %squeeze3A_28 : f32
    %slice3A_30 = vector.extract_strided_slice %scan3A_8#0 {offsets = [5], sizes = [1], strides = [1]} : vector<16xf32> to vector<1xf32>
    %squeeze3A_31 = vector.extract %slice3A_30[0] : f32 from vector<1xf32>
    %add3A_32 = arith.addf %add3A_29, %squeeze3A_31 : f32
    %slice3A_33 = vector.extract_strided_slice %scan3A_8#0 {offsets = [6], sizes = [1], strides = [1]} : vector<16xf32> to vector<1xf32>
    %squeeze3A_34 = vector.extract %slice3A_33[0] : f32 from vector<1xf32>
    %add3A_35 = arith.addf %add3A_32, %squeeze3A_34 : f32
    %slice3A_36 = vector.extract_strided_slice %scan3A_8#0 {offsets = [7], sizes = [1], strides = [1]} : vector<16xf32> to vector<1xf32>
    %squeeze3A_37 = vector.extract %slice3A_36[0] : f32 from vector<1xf32>
    %add3A_38 = arith.addf %add3A_35, %squeeze3A_37 : f32
    %slice3A_39 = vector.extract_strided_slice %scan3A_8#0 {offsets = [8], sizes = [1], strides = [1]} : vector<16xf32> to vector<1xf32>
    %squeeze3A_40 = vector.extract %slice3A_39[0] : f32 from vector<1xf32>
    %add3A_41 = arith.addf %add3A_38, %squeeze3A_40 : f32
    %slice3A_42 = vector.extract_strided_slice %scan3A_8#0 {offsets = [9], sizes = [1], strides = [1]} : vector<16xf32> to vector<1xf32>
    %squeeze3A_43 = vector.extract %slice3A_42[0] : f32 from vector<1xf32>
    %add3A_44 = arith.addf %add3A_41, %squeeze3A_43 : f32
    %slice3A_45 = vector.extract_strided_slice %scan3A_8#0 {offsets = [10], sizes = [1], strides = [1]} : vector<16xf32> to vector<1xf32>
    %squeeze3A_46 = vector.extract %slice3A_45[0] : f32 from vector<1xf32>
    %add3A_47 = arith.addf %add3A_44, %squeeze3A_46 : f32
    %slice3A_48 = vector.extract_strided_slice %scan3A_8#0 {offsets = [11], sizes = [1], strides = [1]} : vector<16xf32> to vector<1xf32>
    %squeeze3A_49 = vector.extract %slice3A_48[0] : f32 from vector<1xf32>
    %add3A_50 = arith.addf %add3A_47, %squeeze3A_49 : f32
    %slice3A_51 = vector.extract_strided_slice %scan3A_8#0 {offsets = [12], sizes = [1], strides = [1]} : vector<16xf32> to vector<1xf32>
    %squeeze3A_52 = vector.extract %slice3A_51[0] : f32 from vector<1xf32>
    %add3A_53 = arith.addf %add3A_50, %squeeze3A_52 : f32
    %slice3A_54 = vector.extract_strided_slice %scan3A_8#0 {offsets = [13], sizes = [1], strides = [1]} : vector<16xf32> to vector<1xf32>
    %squeeze3A_55 = vector.extract %slice3A_54[0] : f32 from vector<1xf32>
    %add3A_56 = arith.addf %add3A_53, %squeeze3A_55 : f32
    %slice3A_57 = vector.extract_strided_slice %scan3A_8#0 {offsets = [14], sizes = [1], strides = [1]} : vector<16xf32> to vector<1xf32>
    %squeeze3A_58 = vector.extract %slice3A_57[0] : f32 from vector<1xf32>
    %add3A_59 = arith.addf %add3A_56, %squeeze3A_58 : f32
    %slice3A_60 = vector.extract_strided_slice %scan3A_8#0 {offsets = [15], sizes = [1], strides = [1]} : vector<16xf32> to vector<1xf32>
    %squeeze3A_61 = vector.extract %slice3A_60[0] : f32 from vector<1xf32>
    %add3A_62 = arith.addf %add3A_59, %squeeze3A_61 : f32
    %slice3A_63 = vector.extract_strided_slice %get3A_17 {offsets = [0], sizes = [1], strides = [1]} : vector<16xf32> to vector<1xf32>
    %squeeze3A_64 = vector.extract %slice3A_63[0] : f32 from vector<1xf32>
    %slice3A_65 = vector.extract_strided_slice %scan3A_8#1 {offsets = [0], sizes = [1], strides = [1]} : vector<16xf32> to vector<1xf32>
    %squeeze3A_66 = vector.extract %slice3A_65[0] : f32 from vector<1xf32>
    %add3A_67 = arith.addf %squeeze3A_64, %squeeze3A_66 : f32
    %slice3A_68 = vector.extract_strided_slice %scan3A_8#1 {offsets = [1], sizes = [1], strides = [1]} : vector<16xf32> to vector<1xf32>
    %squeeze3A_69 = vector.extract %slice3A_68[0] : f32 from vector<1xf32>
    %add3A_70 = arith.addf %add3A_67, %squeeze3A_69 : f32
    %slice3A_71 = vector.extract_strided_slice %scan3A_8#1 {offsets = [2], sizes = [1], strides = [1]} : vector<16xf32> to vector<1xf32>
    %squeeze3A_72 = vector.extract %slice3A_71[0] : f32 from vector<1xf32>
    %add3A_73 = arith.addf %add3A_70, %squeeze3A_72 : f32
    %slice3A_74 = vector.extract_strided_slice %scan3A_8#1 {offsets = [3], sizes = [1], strides = [1]} : vector<16xf32> to vector<1xf32>
    %squeeze3A_75 = vector.extract %slice3A_74[0] : f32 from vector<1xf32>
    %add3A_76 = arith.addf %add3A_73, %squeeze3A_75 : f32
    %slice3A_77 = vector.extract_strided_slice %scan3A_8#1 {offsets = [4], sizes = [1], strides = [1]} : vector<16xf32> to vector<1xf32>
    %squeeze3A_78 = vector.extract %slice3A_77[0] : f32 from vector<1xf32>
    %add3A_79 = arith.addf %add3A_76, %squeeze3A_78 : f32
    %slice3A_80 = vector.extract_strided_slice %scan3A_8#1 {offsets = [5], sizes = [1], strides = [1]} : vector<16xf32> to vector<1xf32>
    %squeeze3A_81 = vector.extract %slice3A_80[0] : f32 from vector<1xf32>
    %add3A_82 = arith.addf %add3A_79, %squeeze3A_81 : f32
    %slice3A_83 = vector.extract_strided_slice %scan3A_8#1 {offsets = [6], sizes = [1], strides = [1]} : vector<16xf32> to vector<1xf32>
    %squeeze3A_84 = vector.extract %slice3A_83[0] : f32 from vector<1xf32>
    %add3A_85 = arith.addf %add3A_82, %squeeze3A_84 : f32
    %slice3A_86 = vector.extract_strided_slice %scan3A_8#1 {offsets = [7], sizes = [1], strides = [1]} : vector<16xf32> to vector<1xf32>
    %squeeze3A_87 = vector.extract %slice3A_86[0] : f32 from vector<1xf32>
    %add3A_88 = arith.addf %add3A_85, %squeeze3A_87 : f32
    %slice3A_89 = vector.extract_strided_slice %scan3A_8#1 {offsets = [8], sizes = [1], strides = [1]} : vector<16xf32> to vector<1xf32>
    %squeeze3A_90 = vector.extract %slice3A_89[0] : f32 from vector<1xf32>
    %add3A_91 = arith.addf %add3A_88, %squeeze3A_90 : f32
    %slice3A_92 = vector.extract_strided_slice %scan3A_8#1 {offsets = [9], sizes = [1], strides = [1]} : vector<16xf32> to vector<1xf32>
    %squeeze3A_93 = vector.extract %slice3A_92[0] : f32 from vector<1xf32>
    %add3A_94 = arith.addf %add3A_91, %squeeze3A_93 : f32
    %slice3A_95 = vector.extract_strided_slice %scan3A_8#1 {offsets = [10], sizes = [1], strides = [1]} : vector<16xf32> to vector<1xf32>
    %squeeze3A_96 = vector.extract %slice3A_95[0] : f32 from vector<1xf32>
    %add3A_97 = arith.addf %add3A_94, %squeeze3A_96 : f32
    %slice3A_98 = vector.extract_strided_slice %scan3A_8#1 {offsets = [11], sizes = [1], strides = [1]} : vector<16xf32> to vector<1xf32>
    %squeeze3A_99 = vector.extract %slice3A_98[0] : f32 from vector<1xf32>
    %add3A_100 = arith.addf %add3A_97, %squeeze3A_99 : f32
    %slice3A_101 = vector.extract_strided_slice %scan3A_8#1 {offsets = [12], sizes = [1], strides = [1]} : vector<16xf32> to vector<1xf32>
    %squeeze3A_102 = vector.extract %slice3A_101[0] : f32 from vector<1xf32>
    %add3A_103 = arith.addf %add3A_100, %squeeze3A_102 : f32
    %slice3A_104 = vector.extract_strided_slice %scan3A_8#1 {offsets = [13], sizes = [1], strides = [1]} : vector<16xf32> to vector<1xf32>
    %squeeze3A_105 = vector.extract %slice3A_104[0] : f32 from vector<1xf32>
    %add3A_106 = arith.addf %add3A_103, %squeeze3A_105 : f32
    %slice3A_107 = vector.extract_strided_slice %scan3A_8#1 {offsets = [14], sizes = [1], strides = [1]} : vector<16xf32> to vector<1xf32>
    %squeeze3A_108 = vector.extract %slice3A_107[0] : f32 from vector<1xf32>
    %add3A_109 = arith.addf %add3A_106, %squeeze3A_108 : f32
    %slice3A_110 = vector.extract_strided_slice %scan3A_8#1 {offsets = [15], sizes = [1], strides = [1]} : vector<16xf32> to vector<1xf32>
    %squeeze3A_111 = vector.extract %slice3A_110[0] : f32 from vector<1xf32>
    %add3A_112 = arith.addf %add3A_109, %squeeze3A_111 : f32
    %mul3A_113 = arith.constant 3.906250e-03 : f32
    %mul3A_114 = arith.mulf %add3A_62, %mul3A_113 : f32
    %get3A_115 = arith.constant 0 : index
    %get3A_116 = tpu.vector_load %arg7[%get3A_115] {strides = array<i32>} : memref<272xf32, #tpu.memory_space<vmem>>, vector<16xf32>,
    %swap3A = arith.constant 256 : index
    %swap3A_117 = tpu.vector_load %arg7[%swap3A] {strides = array<i32>} : memref<272xf32, #tpu.memory_space<vmem>>, vector<16xf32>,
    tpu.vector_store %arg7[%swap3A], %get3A_116 {strides = array<i32>} : memref<272xf32, #tpu.memory_space<vmem>>, vector<16xf32>,
    %scan3A_118 = arith.constant 0 : i32
    %scan3A_119 = arith.constant 0 : i32
    %scan3A_120 = arith.constant 16 : i32
    %scan3A_121 = arith.addi %scan3A_119, %scan3A_120 : i32
    %scan3A_122 = arith.constant 1 : i32
    %scan3A_123 = scf.for %scan3A_128 = %scan3A_119 to %scan3A_121 step %scan3A_122 iter_args(%scan3A_129 = %scan3A_118) -> (i32)  : i32 {
      %mul3A_130 = arith.constant 16 : i32
      %mul3A_131 = arith.muli %scan3A_128, %mul3A_130 : i32
      %get3A_132 = arith.index_cast %mul3A_131 : i32 to index
      %get3A_133 = tpu.vector_load %arg7[%get3A_132] {strides = array<i32>} : memref<272xf32, #tpu.memory_space<vmem>>, vector<16xf32>,
      %mul3A_134 = arith.constant 16 : i32
      %mul3A_135 = arith.muli %scan3A_128, %mul3A_134 : i32
      %add3A_136 = arith.constant 1 : i32
      %add3A_137 = arith.addi %mul3A_135, %add3A_136 : i32
      %get3A_138 = arith.index_cast %add3A_137 : i32 to index
      %get3A_139 = tpu.vector_load %arg7[%get3A_138] {strides = array<i32>} : memref<272xf32, #tpu.memory_space<vmem>>, vector<16xf32>,
      %mul3A_140 = arith.constant 16 : i32
      %mul3A_141 = arith.muli %scan3A_128, %mul3A_140 : i32
      %add3A_142 = arith.constant 2 : i32
      %add3A_143 = arith.addi %mul3A_141, %add3A_142 : i32
      %get3A_144 = arith.index_cast %add3A_143 : i32 to index
      %get3A_145 = tpu.vector_load %arg7[%get3A_144] {strides = array<i32>} : memref<272xf32, #tpu.memory_space<vmem>>, vector<16xf32>,
      %mul3A_146 = arith.constant 16 : i32
      %mul3A_147 = arith.muli %scan3A_128, %mul3A_146 : i32
      %add3A_148 = arith.constant 3 : i32
      %add3A_149 = arith.addi %mul3A_147, %add3A_148 : i32
      %get3A_150 = arith.index_cast %add3A_149 : i32 to index
      %get3A_151 = tpu.vector_load %arg7[%get3A_150] {strides = array<i32>} : memref<272xf32, #tpu.memory_space<vmem>>, vector<16xf32>,
      %add3A_152 = arith.addf %get3A_133, %get3A_145 : vector<16xf32>
      %mul3A_153 = arith.constant 4.000000e+00 : f32
      %mul3A_154 = vector.broadcast %mul3A_153 : f32 to vector<16xf32>
      %mul3A_155 = arith.mulf %mul3A_154, %get3A_139 : vector<16xf32>
      %add3A_156 = arith.addf %add3A_152, %mul3A_155 : vector<16xf32>
      %sub3A = vector.broadcast %mul3A_114 : f32 to vector<16xf32>
      %sub3A_157 = arith.subf %add3A_156, %sub3A : vector<16xf32>
      %mul3A_158 = arith.constant 16 : i32
      %mul3A_159 = arith.muli %scan3A_128, %mul3A_158 : i32
      %swap3A_160 = arith.index_cast %mul3A_159 : i32 to index
      %swap3A_161 = tpu.vector_load %arg10[%swap3A_160] {strides = array<i32>} : memref<256xf32, #tpu.memory_space<vmem>>, vector<16xf32>,
      tpu.vector_store %arg10[%swap3A_160], %sub3A_157 {strides = array<i32>} : memref<256xf32, #tpu.memory_space<vmem>>, vector<16xf32>,
      %sub3A_162 = arith.subf %get3A_145, %get3A_133 : vector<16xf32>
      %mul3A_163 = arith.constant 3.000000e+00 : f32
      %mul3A_164 = vector.broadcast %mul3A_163 : f32 to vector<16xf32>
      %mul3A_165 = arith.mulf %mul3A_164, %sub3A_162 : vector<16xf32>
      %mul3A_166 = arith.constant 16 : i32
      %mul3A_167 = arith.muli %scan3A_128, %mul3A_166 : i32
      %swap3A_168 = arith.index_cast %mul3A_167 : i32 to index
      %swap3A_169 = tpu.vector_load %arg11[%swap3A_168] {strides = array<i32>} : memref<256xf32, #tpu.memory_space<vmem>>, vector<16xf32>,
      tpu.vector_store %arg11[%swap3A_168], %mul3A_165 {strides = array<i32>} : memref<256xf32, #tpu.memory_space<vmem>>, vector<16xf32>,
      %mul3A_170 = arith.constant 3.000000e+00 : f32
      %mul3A_171 = vector.broadcast %mul3A_170 : f32 to vector<16xf32>
      %mul3A_172 = arith.mulf %mul3A_171, %add3A_152 : vector<16xf32>
      %mul3A_173 = arith.constant 6.000000e+00 : f32
      %mul3A_174 = vector.broadcast %mul3A_173 : f32 to vector<16xf32>
      %mul3A_175 = arith.mulf %mul3A_174, %get3A_139 : vector<16xf32>
      %sub3A_176 = arith.subf %mul3A_172, %mul3A_175 : vector<16xf32>
      %mul3A_177 = arith.constant 16 : i32
      %mul3A_178 = arith.muli %scan3A_128, %mul3A_177 : i32
      %swap3A_179 = arith.index_cast %mul3A_178 : i32 to index
      %swap3A_180 = tpu.vector_load %arg12[%swap3A_179] {strides = array<i32>} : memref<256xf32, #tpu.memory_space<vmem>>, vector<16xf32>,
      tpu.vector_store %arg12[%swap3A_179], %sub3A_176 {strides = array<i32>} : memref<256xf32, #tpu.memory_space<vmem>>, vector<16xf32>,
      %sub3A_181 = arith.subf %get3A_151, %get3A_133 : vector<16xf32>
      %sub3A_182 = arith.subf %get3A_139, %get3A_145 : vector<16xf32>
      %mul3A_183 = arith.constant 3.000000e+00 : f32
      %mul3A_184 = vector.broadcast %mul3A_183 : f32 to vector<16xf32>
      %mul3A_185 = arith.mulf %mul3A_184, %sub3A_182 : vector<16xf32>
      %add3A_186 = arith.addf %sub3A_181, %mul3A_185 : vector<16xf32>
      %mul3A_187 = arith.constant 16 : i32
      %mul3A_188 = arith.muli %scan3A_128, %mul3A_187 : i32
      %swap3A_189 = arith.index_cast %mul3A_188 : i32 to index
      %swap3A_190 = tpu.vector_load %arg13[%swap3A_189] {strides = array<i32>} : memref<256xf32, #tpu.memory_space<vmem>>, vector<16xf32>,
      tpu.vector_store %arg13[%swap3A_189], %add3A_186 {strides = array<i32>} : memref<256xf32, #tpu.memory_space<vmem>>, vector<16xf32>,
      %scan3A_191 = arith.constant 0 : i32
      scf.yield %scan3A_191 : i32
    }
    %scan3A_124 = arith.constant 16 : i32
    %dma_wait3A = tpu.memref_slice %arg2[%mul3A_2] : memref<262144xf32, #tpu.memory_space<hbm>> -> memref<8192xf32, #tpu.memory_space<hbm>>
    %dma_wait3A_125 = tpu.memref_slice %arg2[%mul3A_2] : memref<262144xf32, #tpu.memory_space<hbm>> -> memref<8192xf32, #tpu.memory_space<hbm>>
    tpu.wait_dma2 semaphore(%arg15 : memref<!tpu.dma_semaphore, #tpu.memory_space<semaphore_mem>>) src(%dma_wait3A_125 : memref<8192xf32, #tpu.memory_space<hbm>>) dst(%arg5 : memref<8192xf32, #tpu.memory_space<vmem>>)
    %parallel_loop3A = arith.constant 0 : i32
    %parallel_loop3A_126 = arith.constant 512 : i32
    %parallel_loop3A_127 = arith.constant 1 : i32
    scf.for %parallel_loop3A_128 = %parallel_loop3A to %parallel_loop3A_126 step %parallel_loop3A_127  : i32 {
      %parallel_loop3A_129 = arith.constant 16 : i32
      %parallel_loop3A_130 = arith.muli %parallel_loop3A_128, %parallel_loop3A_129 : i32
      %parallel_loop3A_131 = arith.index_cast %parallel_loop3A_130 : i32 to index
      %parallel_loop3A_132 = tpu.vector_load %arg5[%parallel_loop3A_131] {strides = array<i32>} : memref<8192xf32, #tpu.memory_space<vmem>>, vector<16xf32>,
      %parallel_loop3A_133 = arith.constant 10922.667 : f32
      %parallel_loop3A_134 = vector.broadcast %parallel_loop3A_133 : f32 to vector<16xf32>
      %parallel_loop3A_135 = arith.mulf %parallel_loop3A_132, %parallel_loop3A_134 : vector<16xf32>
      %parallel_loop3A_136 = arith.constant 5.570560e+05 : f32
      %parallel_loop3A_137 = vector.broadcast %parallel_loop3A_136 : f32 to vector<16xf32>
      %parallel_loop3A_138 = arith.addf %parallel_loop3A_135, %parallel_loop3A_137 : vector<16xf32>
      %parallel_loop3A_139 = arith.fptosi %parallel_loop3A_138 : vector<16xf32> to vector<16xi32>
      %parallel_loop3A_140 = arith.constant -256 : i32
      %parallel_loop3A_141 = vector.broadcast %parallel_loop3A_140 : i32 to vector<16xi32>
      %parallel_loop3A_142 = arith.andi %parallel_loop3A_139, %parallel_loop3A_141 : vector<16xi32>
      %parallel_loop3A_143 = arith.sitofp %parallel_loop3A_142 : vector<16xi32> to vector<16xf32>
      %parallel_loop3A_144 = arith.subf %parallel_loop3A_138, %parallel_loop3A_143 : vector<16xf32>
      %parallel_loop3A_145 = arith.constant 3.906250e-03 : f32
      %parallel_loop3A_146 = vector.broadcast %parallel_loop3A_145 : f32 to vector<16xf32>
      %parallel_loop3A_147 = arith.mulf %parallel_loop3A_144, %parallel_loop3A_146 : vector<16xf32>
      %parallel_loop3A_148 = arith.constant 8 : i32
      %parallel_loop3A_149 = vector.broadcast %parallel_loop3A_148 : i32 to vector<16xi32>
      %parallel_loop3A_150 = arith.shrui %parallel_loop3A_139, %parallel_loop3A_149 : vector<16xi32>
      %parallel_loop3A_151 = arith.constant 255 : i32
      %parallel_loop3A_152 = vector.broadcast %parallel_loop3A_151 : i32 to vector<16xi32>
      %parallel_loop3A_153 = arith.andi %parallel_loop3A_150, %parallel_loop3A_152 : vector<16xi32>
      %parallel_loop3A_154 = arith.constant 255 : i32
      %parallel_loop3A_155 = vector.broadcast %parallel_loop3A_154 : i32 to vector<16xi32>
      %parallel_loop3A_156 = arith.andi %parallel_loop3A_139, %parallel_loop3A_155 : vector<16xi32>
      %parallel_loop3A_157 = tpu.vector_load_idx %arg10[%parallel_loop3A_153] : memref<256xf32, #tpu.memory_space<vmem>>[vector<16xi32>], vector<16xf32>,
      %parallel_loop3A_158 = tpu.vector_load_idx %arg11[%parallel_loop3A_153] : memref<256xf32, #tpu.memory_space<vmem>>[vector<16xi32>], vector<16xf32>,
      %parallel_loop3A_159 = tpu.vector_load_idx %arg12[%parallel_loop3A_153] : memref<256xf32, #tpu.memory_space<vmem>>[vector<16xi32>], vector<16xf32>,
      %parallel_loop3A_160 = tpu.vector_load_idx %arg13[%parallel_loop3A_153] : memref<256xf32, #tpu.memory_space<vmem>>[vector<16xi32>], vector<16xf32>,
      %parallel_loop3A_161 = tpu.vector_load_idx %arg8[%parallel_loop3A_156] : memref<256xf32, #tpu.memory_space<vmem>>[vector<16xi32>], vector<16xf32>,
      %parallel_loop3A_162 = arith.mulf %parallel_loop3A_160, %parallel_loop3A_147 : vector<16xf32>
      %parallel_loop3A_163 = arith.addf %parallel_loop3A_162, %parallel_loop3A_159 : vector<16xf32>
      %parallel_loop3A_164 = arith.mulf %parallel_loop3A_163, %parallel_loop3A_147 : vector<16xf32>
      %parallel_loop3A_165 = arith.addf %parallel_loop3A_164, %parallel_loop3A_158 : vector<16xf32>
      %parallel_loop3A_166 = arith.mulf %parallel_loop3A_165, %parallel_loop3A_147 : vector<16xf32>
      %parallel_loop3A_167 = arith.addf %parallel_loop3A_166, %parallel_loop3A_157 : vector<16xf32>
      %parallel_loop3A_168 = arith.mulf %parallel_loop3A_167, %parallel_loop3A_161 : vector<16xf32>
      %parallel_loop3A_169 = vector.broadcast %add3A_112 : f32 to vector<16xf32>
      %parallel_loop3A_170 = arith.addf %parallel_loop3A_168, %parallel_loop3A_169 : vector<16xf32>
      %parallel_loop3A_171 = arith.constant 16 : i32
      %parallel_loop3A_172 = arith.muli %parallel_loop3A_128, %parallel_loop3A_171 : i32
      %parallel_loop3A_173 = arith.index_cast %parallel_loop3A_172 : i32 to index
      %parallel_loop3A_174 = tpu.vector_load %arg6[%parallel_loop3A_173] {strides = array<i32>} : memref<8192xf32, #tpu.memory_space<vmem>>, vector<16xf32>,
      tpu.vector_store %arg6[%parallel_loop3A_173], %parallel_loop3A_170 {strides = array<i32>} : memref<8192xf32, #tpu.memory_space<vmem>>, vector<16xf32>,
    } {sc.loop_unroll_factor = 8 : i64, sc.parallel_access}
    "tpu.region"() ({
      %run_scoped3A = tpu.sem_alloc : memref<!tpu.dma_semaphore, #tpu.memory_space<semaphore_mem>>
      %dma_start3A_128 = tpu.memref_slice %arg4[%mul3A_2] : memref<262144xf32, #tpu.memory_space<hbm>> -> memref<8192xf32, #tpu.memory_space<hbm>>
      %dma_start3A_129 = tpu.memref_slice %arg4[%mul3A_2] : memref<262144xf32, #tpu.memory_space<hbm>> -> memref<8192xf32, #tpu.memory_space<hbm>>
      tpu.enqueue_dma source(%arg6 : memref<8192xf32, #tpu.memory_space<vmem>>) target(%dma_start3A_129 : memref<8192xf32, #tpu.memory_space<hbm>>) target_semaphore(%run_scoped3A : memref<!tpu.dma_semaphore, #tpu.memory_space<semaphore_mem>>)
      %dma_wait3A_130 = tpu.memref_slice %arg4[%mul3A_2] : memref<262144xf32, #tpu.memory_space<hbm>> -> memref<8192xf32, #tpu.memory_space<hbm>>
      %dma_wait3A_131 = tpu.memref_slice %arg4[%mul3A_2] : memref<262144xf32, #tpu.memory_space<hbm>> -> memref<8192xf32, #tpu.memory_space<hbm>>
      tpu.wait_dma2 semaphore(%run_scoped3A : memref<!tpu.dma_semaphore, #tpu.memory_space<semaphore_mem>>) src(%arg6 : memref<8192xf32, #tpu.memory_space<vmem>>) dst(%dma_wait3A_131 : memref<8192xf32, #tpu.memory_space<hbm>>)
      tpu.yield
    }) : () -> ()
    return
  }
}

</mosaic_0001>

<sc_bundles>
// kernel: kernel.3.cloned.1.call-start
scs
__scs_entry_jumppad:
0x0: {  	(pc) =	sbr.rel $0x88, $3  }
0x1: {  	(tag) =	ssettag $0x0;
	lr =	simm.s32 $0x1  }
0x2: {  	[smem:$0x3F9C] =	sst lr;
	_ =	strace $0xD0000000  }
0x3: {  	_ = 	snop  }
0x4: {  	_ = 	snop  }
0x5: {  	_ = 	snop  }
0x6: {  	_ = 	snop  }
0x7: {  	_ = 	snop  }
__scs_overlays_trampoline_lowered:
0x8: {  	[smem:$0x3FAB] =	sst s0  }
0x9: {  	[smem:$0x3FAC] =	sst s1  }
0xa: {  	[smem:$0x3FAD] =	sst s2  }
0xb: {  	[smem:$0x3FAE] =	sst s3  }
0xc: {  	[smem:$0x3FAF] =	sst s4  }
0xd: {  	[smem:$0x3FB0] =	sst s5  }
0xe: {  	[smem:$0x3FB1] =	sst s6  }
0xf: {  	[smem:$0x3FB2] =	sst s7  }
0x10: {  	[smem:$0x3FB3] =	sst s8  }
0x11: {  	[smem:$0x3FB4] =	sst s9;
	s0 =	simm.s32 @!p0 $0x0  }
0x12: {  	s1 =	sld [smem:$0x3F9A];
	s0 =	simm.s32 @p0 $0x1  }
0x13: {  	[smem:$0x3FB5] =	sst s0;
	s0 =	simm.s32 @!p1 $0x0  }
0x14: {  	s2 =	sld [smem:$0x3F99];
	s0 =	simm.s32 @p1 $0x1  }
0x15: {  	[smem:$0x3FB6] =	sst s0;
	s0 =	simm.s32 @!p2 $0x0  }
0x16: {  	s3 =	sld [smem:$0x3FDB];
	s0 =	simm.s32 @p2 $0x1  }
0x17: {  	s4 =	simm.s32 $0x1BF5;
	[smem:$0x3FB8] =	sst s0  }
0x18: {  	s0 =	sld [smem:$0x3F9B];
	_ =	swait.ge [sflag:s4], $0x0  }
0x19: {  	s7 =	sld [smem:$0x3F9C]  }
0x1a: {  	s8 =	sadd.s32 $0xFFFFE003, lr  }
0x1b: {  	s9 =	sadd.s32 $0xFFFFFEF7, lr;
	s5 =	simm.s32 $0xFFFFFFFF;
	p2 =	slt.u32 s8, $0xFFFFF086  }
0x1c: {  	p1 =	slt.u32 s9, $0xF7A;
	s5 =	simm.s32 @!p2 $0x0  }
0x1d: {  	s5 =	simm.s32 @p1 $0x1;
	p0 =	seq.s32 s7, s2  }
0x1e: {  	s7 =	smul.u32 @!p0 $0xF7A, s2;
	p2 =	seq.s32 @!p0 s5, $0x0  }
0x1f: {  	s9 =	smul.u32 $0xF7A, s1;
	s8 =	simm.s32 @!p0 $0x1BF5;
	p2 =	por !p2, p0  }
0x20: {  	[sflag:s8] =	ssyncset.s32 @!p0 $0xFFFFF086;
	s6 =	sadd.s32 @!p0 s3, s7;
	s7 =	simm.s32 @!p0 $0x108  }
0x21: {  	s3 =	sadd.s32 s3, s9;
	s6 =	sadd.s32 @!p0 $0x88, s6;
	s7 =	simm.s32 @p2 $0x1082  }
0x22: {  	[simem:s7], [sflag:s8] =	dma.local @!p0 [hbm:s6], $0xF7A  }
0x23: {  	s9 =	sor.u32 $0xD0000000, s2;
	s6 =	simm.s32 $0x108;
	_ =	swait.ge @!p0 [sflag:s8], $0x0  }
0x24: {  	s3 =	sadd.s32 $0x88, s3;
	s6 =	simm.s32 @!p1 $0x1082;
	[sflag:s4] =	ssyncset.s32 $0xFFFFF086  }
0x25: {  	[simem:s6], [sflag:s4] =	dma.local [hbm:s3], $0xF7A  }
0x26: {  	[smem:$0x3F9C] =	sst s1;
	(tag) =	ssettag s2;
	_ =	strace s9  }
0x27: {  	s1 =	sld [smem:$0x3FAC]  }
0x28: {  	s2 =	sld [smem:$0x3FAD]  }
0x29: {  	s4 =	sld [smem:$0x3FAF]  }
0x2a: {  	p0 =	seq.s32 s5, $0x0;
	s5 =	sld [smem:$0x3FB0]  }
0x2b: {  	s6 =	sld [smem:$0x3FB1]  }
0x2c: {  	s7 =	sld [smem:$0x3FB2]  }
0x2d: {  	s3 =	simm.s32 $0x108;
	s8 =	sld [smem:$0x3FB3]  }
0x2e: {  	s3 =	simm.s32 @!p0 $0x1082;
	s9 =	sld [smem:$0x3FB4]  }
0x2f: {  	lr =	sadd.s32 s0, s3;
	s0 =	sld [smem:$0x3FAB]  }
0x30: {  	s3 =	sld [smem:$0x3FAE]  }
0x31: {  	[smem:$0x3FB7] =	sst s10  }
0x32: {  	s10 =	sld [smem:$0x3FB5];
	_ =	sdelay $0x3  }
0x33: {  	p0 =	seq.s32 s10, $0x1;
	s10 =	sld [smem:$0x3FB7];
	_ =	sdelay $0x3  }
0x34: {  	[smem:$0x3FB7] =	sst s10  }
0x35: {  	s10 =	sld [smem:$0x3FB6];
	_ =	sdelay $0x3  }
0x36: {  	p1 =	seq.s32 s10, $0x1;
	s10 =	sld [smem:$0x3FB7];
	_ =	sdelay $0x3  }
0x37: {  	[smem:$0x3FB7] =	sst s10  }
0x38: {  	s10 =	sld [smem:$0x3FB8]  }
0x39: {  	_ = 	snop;
	(pc) =	sbr.ind lr, $3  }
0x3a: {  	_ = 	snop  }
0x3b: {  	_ = 	snop  }
0x3c: {  	p2 =	seq.s32 s10, $0x1;
	s10 =	sld [smem:$0x3FB7]  }
0x3d: {  	_ =	shalt  }
0x3e: {  	_ =	shalt  }
0x3f: {  	_ =	shalt  }
0x40: {  	_ =	shalt  }
0x41: {  	_ =	shalt  }
0x42: {  	_ =	shalt  }
0x43: {  	_ =	shalt  }
0x44: {  	_ =	shalt  }
0x45: {  	_ =	shalt  }
0x46: {  	_ =	shalt  }
0x47: {  	_ =	shalt  }
0x48: {  	_ =	shalt  }
0x49: {  	_ =	shalt  }
0x4a: {  	_ =	shalt  }
0x4b: {  	_ =	shalt  }
0x4c: {  	_ =	shalt  }
0x4d: {  	_ =	shalt  }
0x4e: {  	_ =	shalt  }
0x4f: {  	_ =	shalt  }
0x50: {  	_ =	shalt  }
0x51: {  	_ =	shalt  }
0x52: {  	_ =	shalt  }
0x53: {  	_ =	shalt  }
0x54: {  	_ =	shalt  }
0x55: {  	_ =	shalt  }
0x56: {  	_ =	shalt  }
0x57: {  	_ =	shalt  }
0x58: {  	_ =	shalt  }
0x59: {  	_ =	shalt  }
0x5a: {  	_ =	shalt  }
0x5b: {  	_ =	shalt  }
0x5c: {  	_ =	shalt  }
0x5d: {  	_ =	shalt  }
0x5e: {  	_ =	shalt  }
0x5f: {  	_ =	shalt  }
0x60: {  	_ =	shalt  }
0x61: {  	_ =	shalt  }
0x62: {  	_ =	shalt  }
0x63: {  	_ =	shalt  }
0x64: {  	_ =	shalt  }
0x65: {  	_ =	shalt  }
0x66: {  	_ =	shalt  }
0x67: {  	_ =	shalt  }
0x68: {  	_ =	shalt  }
0x69: {  	_ =	shalt  }
0x6a: {  	_ =	shalt  }
0x6b: {  	_ =	shalt  }
0x6c: {  	_ =	shalt  }
0x6d: {  	_ =	shalt  }
0x6e: {  	_ =	shalt  }
0x6f: {  	_ =	shalt  }
0x70: {  	_ =	shalt  }
0x71: {  	_ =	shalt  }
0x72: {  	_ =	shalt  }
0x73: {  	_ =	shalt  }
0x74: {  	_ =	shalt  }
0x75: {  	_ =	shalt  }
0x76: {  	_ =	shalt  }
0x77: {  	_ =	shalt  }
0x78: {  	_ =	shalt  }
0x79: {  	_ =	shalt  }
0x7a: {  	_ =	shalt  }
0x7b: {  	_ =	shalt  }
0x7c: {  	_ =	shalt  }
0x7d: {  	_ =	shalt  }
0x7e: {  	_ =	shalt  }
0x7f: {  	_ =	shalt  }
0x80: {  	_ =	shalt  }
0x81: {  	_ =	shalt  }
0x82: {  	_ =	shalt  }
0x83: {  	_ =	shalt  }
0x84: {  	_ =	shalt  }
0x85: {  	_ =	shalt  }
0x86: {  	_ =	shalt  }
0x87: {  	_ =	shalt  }
.Lfunc_end0:
.L_simem_size_0:
called_computation_lowered:
.L_overlay_start_0:
0x88: {  	s2 =	sld [smem:$0x3FD9]  }
0x89: {  	s3 =	sld [smem:$0x3FFE];
	_ =	sdelay $0x1  }
0x8a: {  	s1 =	srdreg.scid  }
0x8b: {  	s0 =	sand.u32 $0x1, s1  }
0x8c: {  	s17 =	sshll.u32 s0, $0xA;
	s2 =	sadd.s32 s3, s2  }
0x8d: {  	s2 =	sadd.s32 s2, s17  }
0x8e: {  	[smem:$0x3FC3] =	sst s2  }
0x8f: {  	_ = 	snop  }
0x90: {  	s2 =	sld [smem:$0x3FC9]  }
0x91: {  	s18 =	sld [smem:$0x3FD0];
	(tm) =	ssettm $0x1  }
0x92: {  	s4 =	sld [smem:$0x3FFB];
	_ =	sdelay $0x3  }
0x93: {  	_ =	strace s4  }
0x94: {  	s4 =	sld [smem:$0x3FFC];
	_ =	sdelay $0x3  }
0x95: {  	_ =	strace s4  }
0x96: {  	s4 =	sld [smem:$0x3FFD];
	_ =	sdelay $0x3  }
0x97: {  	_ =	strace s4  }
0x98: {  	_ =	strace $0x8FFFFFFF  }
0x99: {  	s19 =	sld [smem:$0x3FDB];
	_ =	sdelay $0x1  }
0x9a: {  	s5 =	simm.s32 $_scs_section_size  }
0x9b: {  	s6 =	simm.s32 $_size__tile_overlayer_lowered;
	s7 =	simm.s32 $_tile_overlayer_lowered  }
0x9c: {  	s22 =	simm.s32 $0x1BFF;
	s21 =	sshll.u32 s7, $0x1;
	s4 =	sadd.s32 s5, s19  }
0x9d: {  	s8 =	simm.s32 $0x0;
	s20 =	sshll.u32 s6, $0x1;
	s6 =	sadd.s32 s21, s4  }
0x9e: {  	[timem:s8], [sflag:s22] =	dma.local [hbm:s6], s20  }
0x9f: {  	_ =	swait.ge [sflag:s22], s20  }
0xa0: {  	s5 =	ssub.s32 $0x0, s20;
	[sflag:s22] =	ssyncset.done $0x0  }
0xa1: {  	[sflag:s22] =	ssyncadd.s32 s5;
	_ =	sdelay $0x1  }
0xa2: {  	s23 =	simm.s32 $0x1B8B  }
0xa3: {  	_ =	swait.ge [sflag:s23], $0x1  }
0xa4: {  	[sflag:s23] =	ssyncset.done $0x0  }
0xa5: {  	s25 =	simm.s32 $0x1B8E;
	s24 =	sld [smem:$0x3FFE];
	[sflag:s23] =	ssyncadd.s32 $0xFFFFFFFF  }
0xa6: {  	s26 =	simm.s32 $execute0_lowered;
	[smem:$0x3FD2] =	sst s25  }
0xa7: {  	s6 =	sshll.u32 s26, $0x1;
	_ =	strace $0x80000046;
	[dreg:$0x1] =	wrdreg $0xFFFFFFFF  }
0xa8: {  	s28 =	simm.s32 $_size_execute0_lowered;
	s4 =	sadd.s32 s4, s6;
	[dreg:$0x0] =	wrdreg $0x0  }
0xa9: {  	s6 =	sshll.u32 s28, $0x1;
	[dreg:$0x2] =	wrdreg s4  }
0xaa: {  	[dreg:$0x3] =	wrdreg s6  }
0xab: {  	[dreg:$0x4] =	wrdreg $0xC0  }
0xac: {  	_ =	task [dreg:s8], $0x5FFFF  }
0xad: {  	[dreg:$0x1] =	wrdreg $0xFFFFFFFF  }
0xae: {  	[dreg:$0x0] =	wrdreg $0x60  }
0xaf: {  	[dreg:$0x2] =	wrdreg s2  }
0xb0: {  	[dreg:$0x3] =	wrdreg s24  }
0xb1: {  	[dreg:$0x4] =	wrdreg s18  }
0xb2: {  	[dreg:$0x5] =	wrdreg $0x9  }
0xb3: {  	_ =	task.clear_ibuf [dreg:s8], $0x6FFFF;
	_ =	strace $0x90000046  }
0xb4: {  	s29 =	simm.s32 $0x9;
	_ =	strace $0x80000048  }
0xb5: {  	_ =	swait.ge [sflag:s29], $0x1  }
0xb6: {  	[sflag:s29] =	ssyncadd.s32 $0xFFFFFFFF  }
0xb7: {  	_ =	strace $0x90000048  }
0xb8: {  	_ =	sfence  }
0xb9: {  	s30 =	sld [smem:$0x0];
	_ =	sdelay $0x2  }
0xba: {  	s31 =	sshll.u32 s1, $0xD;
	s1 =	sshrl.u32 s1, $0x2  }
0xbb: {  	s3 =	sand.u32 $0x4000, s31;
	s1 =	sadd.s32 s1, s30  }
0xbc: {  	s0 =	sor.u32 s3, s0;
	s1 =	sshll.u32 s1, $0x11  }
0xbd: {  	s0 =	sor.u32 s1, s0  }
0xbe: {  	s0 =	sadd.s32 $0x8F2B, s0  }
0xbf: {  	[sflag:s0] =	ssyncadd.remote.s32 $0x1  }
0xc0: {  	_ =	sfence.sel $0xFFFF  }
0xc1: {  	[dreg:$0x0] =	wrdreg $0xFFFFFFFF;
	(pc) =	sbr.abs _section_cstart, $3  }
0xc2: {  	[dreg:$0x1] =	wrdreg $0xFFFFFFFF  }
0xc3: {  	_ =	task.clear_ibuf [dreg:s8], $0x2FFFF;
	_ =	strace $0x9FFFFFFF  }
0xc4: {  	(tm) =	ssettm $0x7FFFFFFF  }
0xc5: {  	_ =	shalt  }
tec
execute0_lowered:
.L_overlay_start_1:
0x0: {  	(tag) =	ssettag $0x1  }
0x1: {  	v0 =	vimm.f32 $1.500000000e+01;
	vm0 =	vcmask $0x300  }
0x2: {  	vm14 =	vcmask $0x704;
	v0 =	vsel vm0, $0x0, v0  }
0x3: {  	vm15 =	vcmask $0xB08;
	v0 =	vsel vm14, $0x3F800000, v0  }
0x4: {  	vm4 =	vcmask $0xF0C;
	v0 =	vsel vm15, $0x40000000, v0  }
0x5: {  	vm5 =	vcmask $0x1310;
	v0 =	vsel vm4, $0x40400000, v0  }
0x6: {  	s4 =	rddreg [dreg:$0x0];
	vm6 =	vcmask $0x1714;
	v0 =	vsel vm5, $0x40800000, v0  }
0x7: {  	s3 =	rddreg [dreg:$0x1];
	vm7 =	vcmask $0x1B18;
	v0 =	vsel vm6, $0x40A00000, v0  }
0x8: {  	s5 =	rddreg [dreg:$0x2];
	s1 =	simm.s32 $0x0;
	vm8 =	vcmask $0x1F1C;
	v0 =	vsel vm7, $0x40C00000, v0  }
0x9: {  	s6 =	srdreg.scid;
	s0 =	stileid.u32;
	vm9 =	vcmask $0x2320;
	s10 =	simm.s32 $0x4700;
	v0 =	vsel vm8, $0x40E00000, v0  }
0xa: {  	vm10 =	vcmask $0x2724;
	s11 =	simm.s32 $0x4800;
	s12 =	simm.s32 $0x4900;
	s13 =	simm.s32 $0x4180;
	v0 =	vsel vm9, $0x41000000, v0  }
0xb: {  	vm11 =	vcmask $0x2B28;
	s15 =	simm.s32 $0x3;
	s16 =	simm.s32 $0x0;
	[smem:$0x7FF] =	sst s1;
	v0 =	vsel vm10, $0x41100000, v0  }
0xc: {  	vm12 =	vcmask $0x2F2C;
	s6 =	sand.u32 $0x1, s6;
	s8 =	sshll.u32 s0, $0xB;
	s3 =	sadd.s32 $0xA00, s3;
	v0 =	vsel vm11, $0x41200000, v0  }
0xd: {  	vm13 =	vcmask $0x3330;
	s7 =	ssub.s32 $0x2, s6;
	s6 =	sshll.u32 s6, $0xA;
	_ =	strace $0x80000047;
	v0 =	vsel vm12, $0x41300000, v0  }
0xe: {  	vm14 =	vcmask $0x3734;
	s9 =	sshrl.u32 s7, $0x1;
	s6 =	sor.u32 s6, s8;
	s8 =	simm.s32 $0x2;
	v0 =	vsel vm13, $0x41400000, v0  }
0xf: {  	vm15 =	vcmask $0x3B38;
	s7 =	ssub.s32 s7, s9;
	s4 =	sadd.s32 s4, s6;
	s5 =	sadd.s32 s5, s6;
	v0 =	vsel vm14, $0x41500000, v0  }
0x10: {  	s9 =	simm.s32 $0x4600;
	s6 =	smax.u32 s7, $0x1;
	s7 =	simm.s32 $0x1;
	v0 =	vsel vm15, $0x41600000, v0  }
.LBB2_1:
0x11: {  	s17 =	simm.s32 $0x4280  }
0x12: {  	[tilespmem:s17], [sflag:$0x1] =	stream.linear.gather [hbm4b:s3+s1], $0x380, $0x38;
	[tilespmem:$0x4A00] =	vst v63  }
0x13: {  	_ = 	snop  }
0x14: {  	[tilespmem:s1], [sflag:$0x2] =	stream.linear.gather [hbm4b:s4+s1], $0x2000, $0x38;
	[tilespmem:$0x4A00] =	vst v63  }
0x15: {  	_ =	swait.ge [sflag:s7], $0x380  }
0x16: {  	[sflag:s7] =	ssyncset.done $0x0  }
0x17: {  	s18 =	sand.u32 $0xF0, s1;
	[sflag:s7] =	ssyncadd.s32 $0xFFFFFC80  }
0x18: {  	v3 =	vld [tilespmem:s18+$0x4480]  }
0x19: {  	v1 =	vld [tilespmem:s17+$0x0];
	_ =	sdelay $0x4  }
0x1a: {  	v2 =	vmul.f32 v3, v1;
	_ =	sdelay $0x1  }
0x1b: {  	v4 =	vmul.f32 $1.666666720e-01, v2  }
0x1c: {  	s19 =	simm.s32 $0x10;
	s17 =	simm.s32 $0x4000  }
0x1d: {  	v5 =	vld [tilespmem:s18+$0x4380];
	s18 =	sand.u32 $0xF0, s19;
	v1 =	vimm.f32 $0.0e+00;
	[tilespmem:s17+$0x0] =	vst v4  }
0x1e: {  	s20 =	simm.s32 $0x20;
	s19 =	simm.s32 $0x4290;
	v2 =	vadd.f32 v2, v1;
	v4 =	vld [tilespmem:s18+$0x4480]  }
.LBB2_2:
0x1f: {  	p0 =	sne.s32 s20, $0xF0;
	v6 =	vld [tilespmem:s19+$0x0];
	_ =	sdelay $0x2  }
0x20: {  	v5 =	vmul.f32 v3, v5  }
0x21: {  	v3 =	vmov v4  }
0x22: {  	v4 =	vmul.f32 v3, v6;
	v1 =	vadd.f32 v5, v1  }
.Ltmp0:
0x23: {  	(pc) =	sbr.rel @p0 .LBB2_2-.Ltmp0, $4  }
0x24: {  	v6 =	vmul.f32 $1.666666720e-01, v4;
	v2 =	vadd.f32 v4, v2  }
0x25: {  	s17 =	sadd.s32 $0x10, s17  }
0x26: {  	v5 =	vld [tilespmem:s18+$0x4380];
	s18 =	sand.u32 $0xF0, s20;
	[tilespmem:s17+$0x0] =	vst v6  }
0x27: {  	s19 =	sadd.s32 $0x10, s19;
	s20 =	sadd.s32 $0x10, s20;
	v4 =	vld [tilespmem:s18+$0x4480]  }
0x28: {  	s20 =	simm.s32 $0x0  }
0x29: {  	s20 =	scvt.s32.f32 s20;
	_ =	sdelay $0x1  }
0x2a: {  	s20 =	sadd.f32 $5.000000000e-01, s20;
	_ =	sdelay $0x1  }
0x2b: {  	v6 =	vadd.f32 s20, v0;
	_ =	sdelay $0x1  }
0x2c: {  	v6 =	vmul.f32 $3.906250000e-03, v6;
	_ =	sdelay $0x1  }
0x2d: {  	v7 =	vmul.f32 v6, v6;
	v8 =	vsub.f32 $1.000000000e+00, v6;
	_ =	sdelay $0x1  }
0x2e: {  	s25 =	simm.s32 $0x10;
	v6 =	vmul.f32 v7, v6;
	v9 =	vmul.f32 v8, v8  }
0x2f: {  	s20 =	scvt.s32.f32 s25  }
0x30: {  	v8 =	vmul.f32 v9, v8;
	v9 =	vmul.f32 $5.000000000e-01, v6  }
0x31: {  	s20 =	sadd.f32 $5.000000000e-01, s20  }
0x32: {  	v8 =	vmul.f32 $1.666666720e-01, v8;
	v7 =	vsub.f32 v9, v7  }
0x33: {  	v9 =	vadd.f32 s20, v0  }
0x34: {  	v7 =	vadd.f32 $6.666666860e-01, v7;
	v10 =	vsub.f32 $1.000000000e+00, v8  }
0x35: {  	v9 =	vmul.f32 $3.906250000e-03, v9  }
0x36: {  	v6 =	vmul.f32 $1.666666720e-01, v6;
	v10 =	vsub.f32 v10, v7  }
0x37: {  	s26 =	simm.s32 $0x20;
	v11 =	vmul.f32 v9, v9;
	v12 =	vsub.f32 $1.000000000e+00, v9  }
0x38: {  	s28 =	scvt.s32.f32 s26;
	v8 =	vmul.f32 v8, v8;
	v7 =	vmul.f32 v7, v7;
	v10 =	vsub.f32 v10, v6  }
0x39: {  	v9 =	vmul.f32 v11, v9;
	v13 =	vmul.f32 v12, v12  }
0x3a: {  	v14 =	vld [tilespmem:s19+$0x0];
	s19 =	sadd.f32 $5.000000000e-01, s28;
	v3 =	vmul.f32 v3, v5;
	v7 =	vadd.f32 v7, v8;
	v8 =	vmul.f32 v10, v10  }
0x3b: {  	v10 =	vmul.f32 v13, v12;
	v12 =	vmul.f32 $5.000000000e-01, v9  }
0x3c: {  	v5 =	vadd.f32 s19, v0;
	v6 =	vmul.f32 v6, v6;
	v7 =	vadd.f32 v8, v7  }
0x3d: {  	v10 =	vmul.f32 $1.666666720e-01, v10;
	v11 =	vsub.f32 v12, v11  }
0x3e: {  	v1 =	vadd.f32 v3, v1;
	v3 =	vmul.f32 $3.906250000e-03, v5;
	v8 =	vld [tilespmem:s18+$0x4380];
	v6 =	vadd.f32 v7, v6  }
0x3f: {  	v7 =	vmul.f32 v4, v14;
	v11 =	vadd.f32 $6.666666860e-01, v11;
	v12 =	vsub.f32 $1.000000000e+00, v10  }
0x40: {  	v10 =	vmul.f32 v10, v10;
	v5 =	vmul.f32 $3.906250000e-03, v6  }
0x41: {  	v2 =	vadd.f32 v7, v2;
	v6 =	vmul.f32 $1.666666720e-01, v9;
	v9 =	vsub.f32 v12, v11  }
0x42: {  	v12 =	vsub.f32 $1.000000000e+00, v3;
	v11 =	vmul.f32 v11, v11;
	v5 =	vadd.f32 $-5.258788860e-06, v5  }
0x43: {  	s29 =	simm.s32 $0x30;
	v4 =	vmul.f32 v4, v8;
	v8 =	vmul.f32 v3, v3;
	v9 =	vsub.f32 v9, v6  }
0x44: {  	s18 =	scvt.s32.f32 s29;
	v14 =	vmul.f32 v12, v12;
	v13 =	vshrl.u32 v5, $0x1;
	v5 =	vmul.f32 $5.000000000e-01, v5  }
0x45: {  	v6 =	vmul.f32 v6, v6;
	v3 =	vmul.f32 v8, v3;
	v13 =	vsub.s32 $0x5F3759DF, v13  }
0x46: {  	s18 =	sadd.f32 $5.000000000e-01, s18;
	v10 =	vadd.f32 v11, v10;
	v9 =	vmul.f32 v9, v9;
	v11 =	vmul.f32 v13, v5  }
0x47: {  	v1 =	vadd.f32 v4, v1;
	v12 =	vmul.f32 v14, v12;
	v15 =	vmul.f32 $5.000000000e-01, v3  }
0x48: {  	v14 =	vadd.f32 s18, v0;
	v9 =	vadd.f32 v9, v10;
	v10 =	vmul.f32 v13, v11  }
0x49: {  	v3 =	vmul.f32 $1.666666720e-01, v3;
	v4 =	vmul.f32 $1.666666720e-01, v12;
	v8 =	vsub.f32 v15, v8  }
0x4a: {  	v11 =	vmul.f32 $3.906250000e-03, v14;
	v6 =	vadd.f32 v9, v6;
	v9 =	vsub.f32 $1.500000000e+00, v10  }
0x4b: {  	v10 =	vmul.f32 $1.666666720e-01, v7;
	v7 =	vadd.f32 $6.666666860e-01, v8;
	v8 =	vsub.f32 $1.000000000e+00, v4  }
0x4c: {  	v12 =	vmul.f32 v11, v11;
	v14 =	vsub.f32 $1.000000000e+00, v11;
	v6 =	vmul.f32 $3.906250000e-03, v6  }
0x4d: {  	v4 =	vmul.f32 v4, v4;
	v9 =	vmul.f32 v13, v9;
	v8 =	vsub.f32 v8, v7  }
0x4e: {  	s30 =	simm.s32 $0x40;
	v11 =	vmul.f32 v12, v11;
	v13 =	vmul.f32 v14, v14;
	v6 =	vadd.f32 $-5.258788860e-06, v6  }
0x4f: {  	s18 =	scvt.s32.f32 s30;
	v7 =	vmul.f32 v7, v7;
	v5 =	vmul.f32 v9, v5  }
0x50: {  	v8 =	vsub.f32 v8, v3;
	v15 =	vshrl.u32 v6, $0x1;
	v16 =	vmul.f32 $5.000000000e-01, v6  }
0x51: {  	s18 =	sadd.f32 $5.000000000e-01, s18;
	v6 =	vmul.f32 v13, v14;
	v13 =	vsub.s32 $0x5F3759DF, v15;
	v5 =	vmul.f32 v5, v9  }
0x52: {  	v4 =	vadd.f32 v7, v4;
	v7 =	vmul.f32 v8, v8;
	v8 =	vmul.f32 v13, v16  }
0x53: {  	v14 =	vadd.f32 s18, v0;
	v3 =	vmul.f32 v3, v3;
	v15 =	vmul.f32 $5.000000000e-01, v11  }
0x54: {  	v5 =	vsub.f32 $1.500000000e+00, v5;
	v4 =	vadd.f32 v7, v4;
	v7 =	vmul.f32 v13, v8  }
0x55: {  	v8 =	vmul.f32 $3.906250000e-03, v14;
	v14 =	vmul.f32 $1.666666720e-01, v6;
	v6 =	vsub.f32 v15, v12  }
0x56: {  	v5 =	vmul.f32 v5, v9;
	v3 =	vadd.f32 v4, v3;
	v4 =	vsub.f32 $1.500000000e+00, v7  }
0x57: {  	v7 =	vmul.f32 v8, v8;
	v9 =	vadd.f32 $6.666666860e-01, v6;
	v12 =	vsub.f32 $1.000000000e+00, v14  }
0x58: {  	v15 =	vsub.f32 $1.000000000e+00, v8;
	v3 =	vmul.f32 $3.906250000e-03, v3;
	v17 =	vmul.f32 v13, v4  }
0x59: {  	v6 =	vmul.f32 v7, v8;
	v8 =	vmul.f32 $1.666666720e-01, v11;
	v4 =	vsub.f32 v12, v9  }
0x5a: {  	s31 =	simm.s32 $0x50;
	v11 =	vmul.f32 v15, v15;
	v3 =	vadd.f32 $-5.258788860e-06, v3;
	v12 =	vmul.f32 v17, v16  }
0x5b: {  	s18 =	scvt.s32.f32 s31;
	v9 =	vmul.f32 v9, v9;
	v13 =	vsub.f32 v4, v8;
	v4 =	vmul.f32 v14, v14  }
0x5c: {  	v14 =	vshrl.u32 v3, $0x1;
	v3 =	vmul.f32 $5.000000000e-01, v3;
	v12 =	vmul.f32 v12, v17  }
0x5d: {  	s18 =	sadd.f32 $5.000000000e-01, s18;
	v11 =	vmul.f32 v11, v15;
	v15 =	vadd.f32 v9, v4;
	v4 =	vsub.s32 $0x5F3759DF, v14  }
0x5e: {  	s17 =	sadd.s32 $0x10, s17;
	v14 =	vmul.f32 v13, v13;
	v63 =	vmul.f32 v4, v3;
	v18 =	vsub.f32 $1.500000000e+00, v12  }
0x5f: {  	[tilespmem:s17+$0x0] =	vst v10;
	s17 =	simm.s32 $0x4180;
	v9 =	vmul.f32 v8, v8;
	v13 =	vadd.f32 s18, v0;
	v12 =	vmul.f32 $5.000000000e-01, v6  }
0x60: {  	[tilespmem:s17+$0x0] =	vst v5;
	s18 =	simm.s32 $0x60;
	v10 =	vadd.f32 v14, v15;
	v8 =	vmul.f32 v4, v63;
	v5 =	vmul.f32 v18, v17  }
.LBB2_4:
0x61: {  	p0 =	sne.s32 s18, $0xF0;
	v13 =	vmul.f32 $3.906250000e-03, v13;
	v11 =	vmul.f32 $1.666666720e-01, v11;
	v12 =	vsub.f32 v12, v7;
	s17 =	sadd.s32 $0x10, s17  }
0x62: {  	v9 =	vadd.f32 v10, v9;
	v8 =	vsub.f32 $1.500000000e+00, v8;
	[tilespmem:s17+$0x0] =	vst v5  }
0x63: {  	v7 =	vmul.f32 v13, v13;
	v5 =	vadd.f32 $6.666666860e-01, v12;
	v10 =	vsub.f32 $1.000000000e+00, v11  }
0x64: {  	v12 =	vsub.f32 $1.000000000e+00, v13;
	v9 =	vmul.f32 $3.906250000e-03, v9;
	v14 =	vmul.f32 v4, v8  }
0x65: {  	v8 =	vmul.f32 $1.666666720e-01, v6;
	v6 =	vmul.f32 v7, v13;
	v4 =	vsub.f32 v10, v5  }
0x66: {  	v10 =	vmul.f32 v12, v12;
	v9 =	vadd.f32 $-5.258788860e-06, v9;
	v13 =	vmul.f32 v14, v3  }
0x67: {  	s19 =	scvt.s32.f32 s18;
	v5 =	vmul.f32 v5, v5;
	v15 =	vsub.f32 v4, v8;
	v4 =	vmul.f32 v11, v11  }
.Ltmp1:
0x68: {  	v16 =	vshrl.u32 v9, $0x1;
	v3 =	vmul.f32 $5.000000000e-01, v9;
	v9 =	vmul.f32 v13, v14;
	(pc) =	sbr.rel @p0 .LBB2_4-.Ltmp1, $4  }
0x69: {  	s19 =	sadd.f32 $5.000000000e-01, s19;
	v11 =	vmul.f32 v10, v12;
	v5 =	vadd.f32 v5, v4;
	v4 =	vsub.s32 $0x5F3759DF, v16  }
0x6a: {  	v10 =	vmul.f32 v15, v15;
	v15 =	vmul.f32 v4, v3;
	v16 =	vsub.f32 $1.500000000e+00, v9  }
0x6b: {  	v12 =	vmul.f32 $5.000000000e-01, v6;
	v13 =	vadd.f32 s19, v0;
	v9 =	vmul.f32 v8, v8  }
0x6c: {  	s18 =	sadd.s32 $0x10, s18;
	v10 =	vadd.f32 v10, v5;
	v8 =	vmul.f32 v4, v15;
	v5 =	vmul.f32 v16, v14  }
0x6d: {  	v13 =	vmul.f32 $3.906250000e-03, v13;
	_ =	sdelay $0x1  }
0x6e: {  	v14 =	vmul.f32 v13, v13;
	v15 =	vsub.f32 $1.000000000e+00, v13;
	_ =	sdelay $0x1  }
0x6f: {  	v13 =	vmul.f32 v14, v13;
	v16 =	vmul.f32 v15, v15  }
0x70: {  	v11 =	vmul.f32 $1.666666720e-01, v11;
	v7 =	vsub.f32 v12, v7  }
0x71: {  	v12 =	vmul.f32 v16, v15;
	v15 =	vmul.f32 $5.000000000e-01, v13  }
0x72: {  	v7 =	vadd.f32 $6.666666860e-01, v7;
	v62 =	vsub.f32 $1.000000000e+00, v11  }
0x73: {  	v12 =	vmul.f32 $1.666666720e-01, v12;
	v14 =	vsub.f32 v15, v14  }
0x74: {  	(v2sf) =	vpush v2, $0x0;
	v15 =	vsub.f32 v62, v7  }
0x75: {  	v6 =	vmul.f32 $1.666666720e-01, v6;
	v14 =	vadd.f32 $6.666666860e-01, v14;
	v63 =	vsub.f32 $1.000000000e+00, v12  }
0x76: {  	(v2sf) =	vpush v2, $0x1;
	v11 =	vmul.f32 v11, v11;
	v7 =	vmul.f32 v7, v7  }
0x77: {  	v13 =	vmul.f32 $1.666666720e-01, v13;
	v15 =	vsub.f32 v15, v6;
	v16 =	vsub.f32 v63, v14  }
0x78: {  	(v2sf) =	vpush v2, $0x2;
	v7 =	vadd.f32 v7, v11;
	v12 =	vmul.f32 v12, v12  }
0x79: {  	v11 =	vmul.f32 v15, v15;
	v14 =	vmul.f32 v14, v14;
	v15 =	vsub.f32 v16, v13  }
0x7a: {  	v9 =	vadd.f32 v10, v9;
	(v2sf) =	vpush v2, $0x3;
	v6 =	vmul.f32 v6, v6  }
0x7b: {  	v7 =	vadd.f32 v11, v7;
	v10 =	vadd.f32 v14, v12;
	v11 =	vmul.f32 v15, v15  }
0x7c: {  	(v2sf) =	vpush v2, $0x4  }
0x7d: {  	v6 =	vadd.f32 v7, v6;
	v7 =	vmul.f32 v13, v13;
	v10 =	vadd.f32 v11, v10  }
0x7e: {  	v9 =	vmul.f32 $3.906250000e-03, v9  }
0x7f: {  	(v2sf) =	vpush v2, $0x5;
	v7 =	vadd.f32 v10, v7  }
0x80: {  	v9 =	vadd.f32 $-5.258788860e-06, v9;
	(v2sf) =	vpush v2, $0x6;
	v6 =	vmul.f32 $3.906250000e-03, v6  }
0x81: {  	(v2sf) =	vpush v2, $0x7;
	v7 =	vmul.f32 $3.906250000e-03, v7  }
0x82: {  	v10 =	vshrl.u32 v9, $0x1;
	v6 =	vadd.f32 $-5.258788860e-06, v6;
	v9 =	vmul.f32 $5.000000000e-01, v9  }
0x83: {  	s18 =	spop (v2sf);
	(v2sf) =	vpush v2, $0x8;
	v10 =	vsub.s32 $0x5F3759DF, v10;
	v7 =	vadd.f32 $-5.258788860e-06, v7  }
0x84: {  	v11 =	vshrl.u32 v6, $0x1;
	v12 =	vmul.f32 v10, v9;
	v6 =	vmul.f32 $5.000000000e-01, v6  }
0x85: {  	v11 =	vsub.s32 $0x5F3759DF, v11;
	v13 =	vshrl.u32 v7, $0x1;
	v7 =	vmul.f32 $5.000000000e-01, v7  }
0x86: {  	s19 =	spop (v2sf);
	v14 =	vmul.f32 v11, v6;
	v13 =	vsub.s32 $0x5F3759DF, v13  }
0x87: {  	(v2sf) =	vpush v2, $0x9;
	s18 =	sadd.f32 s19, s18;
	v12 =	vmul.f32 v10, v12;
	v15 =	vmul.f32 v13, v7  }
0x88: {  	v8 =	vsub.f32 $1.500000000e+00, v8;
	s31 =	spop (v2sf);
	v14 =	vmul.f32 v11, v14  }
0x89: {  	(v2sf) =	vpush v2, $0xA;
	s18 =	sadd.f32 s18, s31;
	v12 =	vsub.f32 $1.500000000e+00, v12;
	v15 =	vmul.f32 v13, v15  }
0x8a: {  	v4 =	vmul.f32 v4, v8;
	s0 =	spop (v2sf);
	v8 =	vsub.f32 $1.500000000e+00, v14  }
0x8b: {  	(v2sf) =	vpush v2, $0xB;
	s18 =	sadd.f32 s18, s0;
	v10 =	vmul.f32 v10, v12;
	v12 =	vsub.f32 $1.500000000e+00, v15  }
0x8c: {  	v3 =	vmul.f32 v4, v3;
	s2 =	spop (v2sf);
	v8 =	vmul.f32 v11, v8  }
0x8d: {  	(v2sf) =	vpush v2, $0xC;
	s18 =	sadd.f32 s18, s2;
	v9 =	vmul.f32 v10, v9;
	v11 =	vmul.f32 v13, v12  }
0x8e: {  	v3 =	vmul.f32 v3, v4;
	s14 =	spop (v2sf);
	v6 =	vmul.f32 v8, v6  }
0x8f: {  	(v2sf) =	vpush v2, $0xD;
	s18 =	sadd.f32 s18, s14;
	v9 =	vmul.f32 v9, v10;
	v7 =	vmul.f32 v11, v7  }
0x90: {  	v3 =	vsub.f32 $1.500000000e+00, v3;
	s20 =	spop (v2sf);
	v6 =	vmul.f32 v6, v8  }
0x91: {  	(v2sf) =	vpush v2, $0xE;
	s18 =	sadd.f32 s18, s20;
	v9 =	vsub.f32 $1.500000000e+00, v9;
	v7 =	vmul.f32 v7, v11  }
0x92: {  	s17 =	sadd.s32 $0x10, s17;
	v3 =	vmul.f32 v3, v4;
	s21 =	spop (v2sf);
	v4 =	vsub.f32 $1.500000000e+00, v6  }
0x93: {  	[tilespmem:s17+$0x0] =	vst v5;
	s17 =	sadd.s32 $0x10, s17;
	(v2sf) =	vpush v2, $0xF;
	s18 =	sadd.f32 s18, s21;
	v5 =	vmul.f32 v9, v10;
	v6 =	vsub.f32 $1.500000000e+00, v7  }
0x94: {  	[tilespmem:s17+$0x0] =	vst v3;
	s17 =	sadd.s32 $0x10, s17;
	s22 =	spop (v2sf);
	v2 =	vmul.f32 v4, v8  }
0x95: {  	s18 =	sadd.f32 s18, s22;
	[tilespmem:s17+$0x0] =	vst v5;
	s17 =	sadd.s32 $0x10, s17;
	v3 =	vmul.f32 v6, v11  }
0x96: {  	s23 =	spop (v2sf);
	[tilespmem:s17+$0x0] =	vst v2;
	s17 =	sadd.s32 $0x10, s17  }
0x97: {  	s24 =	sadd.f32 s18, s23;
	[tilespmem:s17+$0x0] =	vst v3  }
0x98: {  	s25 =	spop (v2sf);
	v2 =	vld [tilespmem:$0x4000]  }
0x99: {  	s17 =	sadd.f32 s24, s25  }
0x9a: {  	s26 =	spop (v2sf)  }
0x9b: {  	s17 =	sadd.f32 s17, s26  }
0x9c: {  	s28 =	spop (v2sf)  }
0x9d: {  	s18 =	sadd.f32 s17, s28;
	s17 =	simm.s32 $0x0;
	[tilespmem:$0x4100] =	vst v2  }
0x9e: {  	s29 =	spop (v2sf);
	v5 =	vld [tilespmem:s17+$0x4001]  }
0x9f: {  	s18 =	sadd.f32 s18, s29;
	v8 =	vld [tilespmem:s17+$0x4002]  }
0xa0: {  	s30 =	spop (v2sf);
	v2 =	vld [tilespmem:s17+$0x4003]  }
0xa1: {  	v9 =	vld [tilespmem:s17+$0x4000];
	s18 =	sadd.f32 s18, s30  }
0xa2: {  	s31 =	spop (v2sf)  }
0xa3: {  	s19 =	sadd.f32 s18, s31;
	s18 =	simm.s32 $0x10  }
0xa4: {  	v4 =	vld [tilespmem:s18+$0x4001];
	v6 =	vsub.f32 v5, v8  }
0xa5: {  	v3 =	vld [tilespmem:s18+$0x4002];
	s19 =	smul.f32 $3.906250000e-03, s19;
	v11 =	vmul.f32 $4.000000000e+00, v5  }
0xa6: {  	v7 =	vld [tilespmem:s18+$0x4003];
	v13 =	vadd.f32 v8, v9;
	v14 =	vsub.f32 v2, v9;
	v15 =	vmul.f32 $3.000000000e+00, v6  }
0xa7: {  	v8 =	vsub.f32 v8, v9;
	v2 =	vmov s19;
	v6 =	vmul.f32 $-6.000000000e+00, v5;
	v5 =	vld [tilespmem:s18+$0x4000]  }
0xa8: {  	v10 =	vld [tilespmem:$0x4580];
	s19 =	simm.s32 $0x80;
	v12 =	vadd.f32 v13, v11;
	v9 =	vmul.f32 $3.000000000e+00, v13;
	v11 =	vadd.f32 v15, v14  }
.LBB2_6:
0xa9: {  	s20 =	sshra.s32 s19, $0x2;
	v13 =	vmul.f32 $4.000000000e+00, v4;
	v14 =	vmul.f32 $-6.000000000e+00, v4;
	p0 =	sne.s32 s19, $0x3C0  }
.Ltmp2:
0xaa: {  	s19 =	sadd.s32 $0x40, s19;
	v16 =	vmul.f32 $3.000000000e+00, v8;
	v15 =	vsub.f32 v4, v3;
	v4 =	vld [tilespmem:s20+$0x4001];
	v12 =	vsub.f32 v12, v2;
	[tilespmem:s17+$0x4900] =	vst v11;
	v8 =	vmovc v3;
	(pc) =	sbr.rel @p0 .LBB2_6-.Ltmp2, $4  }
0xab: {  	v9 =	vadd.f32 v6, v9;
	v3 =	vld [tilespmem:s20+$0x4002];
	v6 =	vmov v14  }
0xac: {  	v11 =	vadd.f32 v8, v5;
	v14 =	vsub.f32 v7, v5;
	v7 =	vld [tilespmem:s20+$0x4003];
	v15 =	vmul.f32 $3.000000000e+00, v15;
	[tilespmem:s17+$0x4600] =	vst v12  }
0xad: {  	v8 =	vsub.f32 v8, v5;
	v5 =	vld [tilespmem:s20+$0x4000];
	[tilespmem:s17+$0x4800] =	vst v9  }
0xae: {  	v12 =	vadd.f32 v11, v13;
	v9 =	vmul.f32 $3.000000000e+00, v11;
	v11 =	vadd.f32 v15, v14;
	[tilespmem:s17+$0x4700] =	vst v16;
	s17 =	smov.u32 s18;
	s18 =	smov.u32 s20  }
0xaf: {  	(v2sf) =	vpush v10, $0x0  }
0xb0: {  	(v2sf) =	vpush v1, $0x0  }
0xb1: {  	(v2sf) =	vpush v1, $0x1  }
0xb2: {  	(v2sf) =	vpush v1, $0x2  }
0xb3: {  	(v2sf) =	vpush v1, $0x3  }
0xb4: {  	(v2sf) =	vpush v1, $0x4  }
0xb5: {  	(v2sf) =	vpush v1, $0x5  }
0xb6: {  	(v2sf) =	vpush v1, $0x6  }
0xb7: {  	(v2sf) =	vpush v1, $0x7  }
0xb8: {  	(v2sf) =	vpush v1, $0x8  }
0xb9: {  	(v2sf) =	vpush v1, $0x9  }
0xba: {  	(v2sf) =	vpush v1, $0xA  }
0xbb: {  	(v2sf) =	vpush v1, $0xB  }
0xbc: {  	(v2sf) =	vpush v1, $0xC  }
0xbd: {  	(v2sf) =	vpush v1, $0xD  }
0xbe: {  	s19 =	spop (v2sf);
	(v2sf) =	vpush v1, $0xE  }
0xbf: {  	s23 =	spop (v2sf);
	(v2sf) =	vpush v1, $0xF  }
0xc0: {  	s24 =	spop (v2sf)  }
0xc1: {  	s25 =	spop (v2sf)  }
0xc2: {  	s26 =	spop (v2sf)  }
0xc3: {  	s28 =	spop (v2sf)  }
0xc4: {  	s29 =	spop (v2sf)  }
0xc5: {  	v10 =	vmul.f32 $4.000000000e+00, v4;
	v13 =	vadd.f32 v3, v5;
	s30 =	spop (v2sf)  }
0xc6: {  	v8 =	vmul.f32 $3.000000000e+00, v8;
	v12 =	vsub.f32 v12, v2;
	v1 =	vsub.f32 v4, v3;
	s31 =	spop (v2sf)  }
0xc7: {  	[tilespmem:s17+$0x4900] =	vst v11;
	v6 =	vadd.f32 v6, v9;
	v9 =	vadd.f32 v13, v10;
	s0 =	spop (v2sf)  }
0xc8: {  	[tilespmem:s17+$0x4700] =	vst v8;
	v7 =	vsub.f32 v7, v5;
	v1 =	vmul.f32 $3.000000000e+00, v1;
	s2 =	spop (v2sf)  }
0xc9: {  	[tilespmem:s17+$0x4600] =	vst v12;
	v2 =	vsub.f32 v9, v2;
	v3 =	vsub.f32 v3, v5;
	s14 =	spop (v2sf)  }
0xca: {  	[tilespmem:s17+$0x4800] =	vst v6;
	v6 =	vmul.f32 $3.000000000e+00, v13;
	v4 =	vmul.f32 $-6.000000000e+00, v4;
	v1 =	vadd.f32 v1, v7;
	s22 =	spop (v2sf)  }
0xcb: {  	[tilespmem:s18+$0x4600] =	vst v2;
	v3 =	vmul.f32 $3.000000000e+00, v3;
	s21 =	spop (v2sf)  }
0xcc: {  	s23 =	sadd.f32 s19, s23;
	[tilespmem:s18+$0x4900] =	vst v1;
	v1 =	vadd.f32 v4, v6;
	s20 =	spop (v2sf)  }
0xcd: {  	[tilespmem:s18+$0x4700] =	vst v3;
	s19 =	spop (v2sf)  }
0xce: {  	s23 =	sadd.f32 s23, s24;
	[tilespmem:s18+$0x4800] =	vst v1;
	s24 =	spop (v2sf)  }
0xcf: {  	_ =	swait.ge [sflag:s8], $0x2000  }
0xd0: {  	[sflag:s8] =	ssyncset.done $0x0  }
0xd1: {  	s18 =	sadd.f32 s23, s25;
	s25 =	simm.s32 $0x40;
	[sflag:s8] =	ssyncadd.s32 $0xFFFFE000  }
0xd2: {  	v1 =	vld [tilespmem:s25+$0x30]  }
0xd3: {  	v2 =	vld [tilespmem:s25+$0xFFFFFFD0]  }
0xd4: {  	v3 =	vld [tilespmem:s25+$0xFFFFFFE0]  }
0xd5: {  	v4 =	vld [tilespmem:s25+$0xFFFFFFF0]  }
0xd6: {  	v5 =	vld [tilespmem:s25+$0x0]  }
0xd7: {  	v6 =	vld [tilespmem:s25+$0x10]  }
0xd8: {  	v7 =	vld [tilespmem:s25+$0x20];
	_ =	sdelay $0x1  }
0xd9: {  	v8 =	vld [tilespmem:s25+$0xFFFFFFC0];
	v1 =	vmul.f32 $1.092266700e+04, v1;
	v2 =	vmul.f32 $1.092266700e+04, v2  }
0xda: {  	v3 =	vmul.f32 $1.092266700e+04, v3;
	v4 =	vmul.f32 $1.092266700e+04, v4  }
0xdb: {  	v1 =	vadd.f32 $5.570560000e+05, v1;
	v9 =	vadd.f32 $5.570560000e+05, v2;
	v2 =	vmul.f32 $1.092266700e+04, v5  }
0xdc: {  	v10 =	vadd.f32 $5.570560000e+05, v3;
	v3 =	vmul.f32 $1.092266700e+04, v6;
	v6 =	vmul.f32 $1.092266700e+04, v7  }
0xdd: {  	v11 =	vadd.f32 $5.570560000e+05, v4;
	v5 =	vtrunc.f32 v1;
	v4 =	vtrunc.f32 v9  }
0xde: {  	v12 =	vadd.f32 $5.570560000e+05, v2;
	v2 =	vmul.f32 $1.092266700e+04, v8;
	v13 =	vadd.f32 $5.570560000e+05, v3  }
0xdf: {  	v7 =	vtrunc.f32 v10;
	v14 =	vadd.f32 $5.570560000e+05, v6;
	v5 =	vcvt.f32.s32 v5  }
0xe0: {  	v18 =	vcvt.f32.s32 v4;
	v20 =	vcvt.f32.s32 v7;
	v15 =	vadd.f32 $5.570560000e+05, v2  }
0xe1: {  	v2 =	vtrunc.f32 v11;
	v3 =	vshrl.u32 v5, $0x8;
	v19 =	vand.u32 $0xFF, v5  }
0xe2: {  	v7 =	vshrl.u32 v18, $0x8;
	v32 =	vand.u32 $0xFFFFFF00, v18;
	v18 =	vand.u32 $0xFF, v18  }
0xe3: {  	s18 =	sadd.f32 s18, s26;
	v6 =	vtrunc.f32 v12;
	v8 =	vtrunc.f32 v14;
	v16 =	vand.u32 $0xFF, v3  }
0xe4: {  	v4 =	vand.u32 $0xFFFFFF00, v5;
	v21 =	vcvt.f32.s32 v2;
	v23 =	vcvt.f32.s32 v6  }
0xe5: {  	s18 =	sadd.f32 s18, s28;
	v5 =	vshrl.u32 v20, $0x8;
	v26 =	vcvt.f32.s32 v8;
	v3 =	vtrunc.f32 v13  }
0xe6: {  	v33 =	vand.u32 $0xFFFFFF00, v20;
	v17 =	vtrunc.f32 v15;
	v2 =	vcvt.s32.f32 v4;
	v19 =	vld.idx.msk [tilespmem:v19+s13+$0x0], $0xffff  }
0xe7: {  	s18 =	sadd.f32 s18, s29;
	v8 =	vand.u32 $0xFF, v5;
	v33 =	vcvt.s32.f32 v33;
	v17 =	vcvt.f32.s32 v17;
	v51 =	vld.idx.msk [tilespmem:v18+s13+$0x0], $0xffff  }
0xe8: {  	v24 =	vcvt.f32.s32 v3;
	v6 =	vshrl.u32 v23, $0x8;
	v39 =	vand.u32 $0xFFFFFF00, v26;
	v22 =	vld.idx.msk [tilespmem:v16+s12+$0x0], $0xffff  }
0xe9: {  	s18 =	sadd.f32 s18, s30;
	v1 =	vsub.f32 v1, v2;
	v2 =	vshrl.u32 v21, $0x8;
	v6 =	vand.u32 $0xFF, v6;
	v25 =	vld.idx.msk [tilespmem:v16+s11+$0x0], $0xffff  }
0xea: {  	v57 =	vcvt.s32.f32 v39;
	v10 =	vsub.f32 v10, v33;
	v5 =	vand.u32 $0xFF, v2;
	v27 =	vld.idx.msk [tilespmem:v16+s10+$0x0], $0xffff  }
0xeb: {  	s18 =	sadd.f32 s18, s31;
	v4 =	vshrl.u32 v17, $0x8;
	v2 =	vshrl.u32 v26, $0x8;
	v31 =	vand.u32 $0xFFFFFF00, v17;
	v16 =	vld.idx.msk [tilespmem:v16+s9+$0x0], $0xffff  }
0xec: {  	v37 =	vand.u32 $0xFFFFFF00, v24;
	v63 =	vand.u32 $0xFF, v24;
	v31 =	vcvt.s32.f32 v31;
	v59 =	vld.idx.msk [tilespmem:v8+s11+$0x0], $0xffff  }
0xed: {  	s0 =	sadd.f32 s18, s0;
	v3 =	vand.u32 $0xFF, v4;
	v28 =	vmul.f32 $3.906250000e-03, v1;
	v1 =	vshrl.u32 v24, $0x8;
	v24 =	vld.idx.msk [tilespmem:v8+s10+$0x0], $0xffff  }
0xee: {  	v4 =	vand.u32 $0xFF, v7;
	v15 =	vsub.f32 v15, v31;
	v31 =	vcvt.s32.f32 v37;
	v38 =	vld.idx.msk [tilespmem:v6+s12+$0x0], $0xffff  }
0xef: {  	s0 =	sadd.f32 s0, s2;
	v2 =	vand.u32 $0xFF, v2;
	v36 =	vld.idx.msk [tilespmem:v5+s12+$0x0], $0xffff  }
0xf0: {  	v13 =	vsub.f32 v13, v31;
	v31 =	vmul.f32 $3.906250000e-03, v10;
	v10 =	vsub.f32 v14, v57;
	v14 =	vld.idx.msk [tilespmem:v6+s11+$0x0], $0xffff  }
0xf1: {  	s0 =	sadd.f32 s0, s14;
	v56 =	vld.idx.msk [tilespmem:v5+s10+$0x0], $0xffff  }
0xf2: {  	v29 =	vld.idx.msk [tilespmem:v3+s12+$0x0], $0xffff;
	v22 =	vmul.f32 v28, v22  }
0xf3: {  	s0 =	sadd.f32 s0, s22;
	v35 =	vand.u32 $0xFFFFFF00, v23;
	v7 =	vand.u32 $0xFF, v1;
	v30 =	vld.idx.msk [tilespmem:v4+s12+$0x0], $0xffff  }
0xf4: {  	v35 =	vcvt.s32.f32 v35;
	v58 =	vld.idx.msk [tilespmem:v3+s11+$0x0], $0xffff;
	v22 =	vadd.f32 v22, v25  }
0xf5: {  	s0 =	sadd.f32 s0, s21;
	v61 =	vld.idx.msk [tilespmem:v2+s11+$0x0], $0xffff  }
0xf6: {  	v20 =	vand.u32 $0xFF, v20;
	v12 =	vsub.f32 v12, v35;
	v62 =	vld.idx.msk [tilespmem:v3+s10+$0x0], $0xffff;
	v22 =	vmul.f32 v22, v28  }
0xf7: {  	s0 =	sadd.f32 s0, s20;
	v32 =	vcvt.s32.f32 v32;
	v34 =	vand.u32 $0xFFFFFF00, v21;
	v15 =	vmul.f32 $3.906250000e-03, v15;
	v3 =	vld.idx.msk [tilespmem:v3+s9+$0x0], $0xffff  }
0xf8: {  	v34 =	vcvt.s32.f32 v34;
	v12 =	vmul.f32 $3.906250000e-03, v12;
	v40 =	vld.idx.msk [tilespmem:v7+s12+$0x0], $0xffff;
	v22 =	vadd.f32 v22, v27  }
0xf9: {  	s0 =	sadd.f32 s0, s19;
	v41 =	vand.u32 $0xFF, v26;
	v9 =	vsub.f32 v9, v32;
	v60 =	vld.idx.msk [tilespmem:v7+s11+$0x0], $0xffff;
	v29 =	vmul.f32 v15, v29  }
0xfa: {  	v11 =	vsub.f32 v11, v34;
	v26 =	vmul.f32 v12, v38;
	v22 =	vmul.f32 v22, v28;
	v28 =	vld.idx.msk [tilespmem:v4+s11+$0x0], $0xffff  }
0xfb: {  	s31 =	simm.s32 $0xC0;
	s0 =	sadd.f32 s0, s24;
	v21 =	vand.u32 $0xFF, v21;
	v9 =	vmul.f32 $3.906250000e-03, v9;
	v25 =	vld.idx.msk [tilespmem:v8+s12+$0x0], $0xffff;
	v29 =	vadd.f32 v29, v58  }
0xfc: {  	v11 =	vmul.f32 $3.906250000e-03, v11;
	v14 =	vadd.f32 v26, v14;
	v26 =	vld [tilespmem:s31+$0x30];
	v16 =	vadd.f32 v22, v16  }
0xfd: {  	v1 =	vmov s0;
	v30 =	vmul.f32 v9, v30;
	v27 =	vld.idx.msk [tilespmem:v2+s12+$0x0], $0xffff;
	v29 =	vmul.f32 v29, v15  }
0xfe: {  	v37 =	vand.u32 $0xFF, v23;
	v13 =	vmul.f32 $3.906250000e-03, v13;
	v22 =	vld.idx.msk [tilespmem:v5+s11+$0x0], $0xffff;
	v16 =	vmul.f32 v16, v19  }
0xff: {  	v23 =	vmul.f32 v11, v36;
	v29 =	vadd.f32 v29, v62;
	v28 =	vadd.f32 v30, v28;
	v30 =	vld.idx.msk [tilespmem:v6+s10+$0x0], $0xffff  }
0x100: {  	v19 =	vmul.f32 $3.906250000e-03, v10;
	v10 =	vadd.f32 v16, v1;
	v16 =	vmul.f32 v31, v25;
	v25 =	vld.idx.msk [tilespmem:v4+s10+$0x0], $0xffff  }
0x101: {  	v17 =	vand.u32 $0xFF, v17;
	v34 =	vld.idx.msk [tilespmem:v4+s9+$0x0], $0xffff;
	v57 =	vmul.f32 v13, v40;
	v14 =	vmul.f32 v14, v12  }
0x102: {  	v58 =	vld.idx.msk [tilespmem:v7+s10+$0x0], $0xffff;
	v15 =	vmul.f32 v29, v15;
	v29 =	vmul.f32 $1.092266700e+04, v26;
	v16 =	vadd.f32 v16, v59  }
0x103: {  	v22 =	vadd.f32 v23, v22;
	v23 =	vmul.f32 v28, v9;
	v28 =	vadd.f32 v57, v60;
	v60 =	vld [tilespmem:s31+$0xFFFFFFE0]  }
0x104: {  	v27 =	vmul.f32 v19, v27;
	v29 =	vadd.f32 $5.570560000e+05, v29;
	v59 =	vld [tilespmem:s31+$0xFFFFFFD0];
	v16 =	vmul.f32 v16, v31  }
0x105: {  	v22 =	vmul.f32 v22, v11;
	v14 =	vadd.f32 v14, v30;
	v30 =	vld [tilespmem:s31+$0x20];
	v23 =	vadd.f32 v23, v25  }
0x106: {  	v27 =	vadd.f32 v27, v61;
	v61 =	vld [tilespmem:s31+$0xFFFFFFF0];
	v28 =	vmul.f32 v28, v13;
	v16 =	vadd.f32 v16, v24  }
0x107: {  	v26 =	vmul.f32 v14, v12;
	v12 =	vld [tilespmem:s31+$0xFFFFFFC0];
	v24 =	vmul.f32 v23, v9;
	v9 =	vadd.f32 v22, v56  }
0x108: {  	v44 =	vadd.f32 v15, v3;
	v27 =	vmul.f32 v27, v19;
	v22 =	vld [tilespmem:s31+$0x0];
	v23 =	vmul.f32 v16, v31  }
0x109: {  	v16 =	vld [tilespmem:s31+$0x10];
	v25 =	vmul.f32 v9, v11;
	v9 =	vadd.f32 v28, v58;
	v11 =	vmul.f32 $1.092266700e+04, v59  }
0x10a: {  	v14 =	vmul.f32 $1.092266700e+04, v60;
	v30 =	vmul.f32 $1.092266700e+04, v30;
	v24 =	vadd.f32 v24, v34  }
0x10b: {  	v31 =	vld.idx.msk [tilespmem:v2+s10+$0x0], $0xffff;
	v28 =	vmul.f32 v9, v13;
	v11 =	vadd.f32 $5.570560000e+05, v11;
	v9 =	vmul.f32 $1.092266700e+04, v61  }
0x10c: {  	v13 =	vadd.f32 $5.570560000e+05, v14;
	v12 =	vmul.f32 $1.092266700e+04, v12;
	v34 =	vmul.f32 v24, v51  }
0x10d: {  	v30 =	vadd.f32 $5.570560000e+05, v30;
	v14 =	vmul.f32 $1.092266700e+04, v22;
	v22 =	vtrunc.f32 v29  }
0x10e: {  	v38 =	vld.idx.msk [tilespmem:v8+s9+$0x0], $0xffff;
	v32 =	vadd.f32 $5.570560000e+05, v9;
	v9 =	vmul.f32 $1.092266700e+04, v16;
	v16 =	vcvt.f32.s32 v22  }
0x10f: {  	v22 =	vtrunc.f32 v11;
	v4 =	vtrunc.f32 v13;
	v12 =	vadd.f32 $5.570560000e+05, v12  }
0x110: {  	v62 =	vtrunc.f32 v30;
	v31 =	vadd.f32 v27, v31;
	v14 =	vadd.f32 $5.570560000e+05, v14  }
0x111: {  	v27 =	vcvt.f32.s32 v22;
	v33 =	vadd.f32 $5.570560000e+05, v9;
	v9 =	vshrl.u32 v16, $0x8  }
0x112: {  	v53 =	vld.idx.msk [tilespmem:v20+s13+$0x0], $0xffff;
	v45 =	vcvt.f32.s32 v4;
	v40 =	vcvt.f32.s32 v62;
	v35 =	vand.u32 $0xFF, v9  }
0x113: {  	v42 =	vld.idx.msk [tilespmem:v6+s9+$0x0], $0xffff;
	v23 =	vadd.f32 v23, v38;
	v8 =	vtrunc.f32 v32;
	v6 =	vtrunc.f32 v12  }
0x114: {  	v55 =	vld.idx.msk [tilespmem:v21+s13+$0x0], $0xffff;
	v22 =	vand.u32 $0xFFFFFF00, v16;
	v19 =	vmul.f32 v31, v19;
	v9 =	vtrunc.f32 v14  }
0x115: {  	v39 =	vld.idx.msk [tilespmem:v5+s9+$0x0], $0xffff;
	v16 =	vand.u32 $0xFF, v16;
	v15 =	vcvt.f32.s32 v6;
	v3 =	vcvt.s32.f32 v22  }
0x116: {  	v49 =	vld.idx.msk [tilespmem:v17+s13+$0x0], $0xffff;
	v4 =	vshrl.u32 v27, $0x8;
	v46 =	vcvt.f32.s32 v8;
	v52 =	vshrl.u32 v40, $0x8  }
0x117: {  	v20 =	vand.u32 $0xFFFFFF00, v27;
	v54 =	vand.u32 $0xFFFFFF00, v45;
	v59 =	vand.u32 $0xFFFFFF00, v40;
	v6 =	vld.idx.msk [tilespmem:v35+s12+$0x0], $0xffff  }
0x118: {  	v47 =	vld.idx.msk [tilespmem:v2+s9+$0x0], $0xffff;
	v5 =	vtrunc.f32 v33;
	v48 =	vcvt.f32.s32 v9;
	v3 =	vsub.f32 v29, v3  }
0x119: {  	v9 =	vand.u32 $0xFF, v4;
	v59 =	vcvt.s32.f32 v59;
	v2 =	vshrl.u32 v15, $0x8;
	v8 =	vld.idx.msk [tilespmem:v35+s11+$0x0], $0xffff  }
0x11a: {  	v43 =	vld.idx.msk [tilespmem:v7+s9+$0x0], $0xffff;
	v29 =	vcvt.f32.s32 v5;
	v5 =	vshrl.u32 v45, $0x8;
	v50 =	vmul.f32 $3.906250000e-03, v3  }
0x11b: {  	v37 =	vld.idx.msk [tilespmem:v37+s13+$0x0], $0xffff;
	v17 =	vshrl.u32 v46, $0x8;
	v18 =	vand.u32 $0xFFFFFF00, v15;
	v21 =	vand.u32 $0xFFFFFF00, v46  }
0x11c: {  	v36 =	vld.idx.msk [tilespmem:v63+s13+$0x0], $0xffff;
	v22 =	vshrl.u32 v48, $0x8;
	v56 =	vand.u32 $0xFFFFFF00, v48;
	v6 =	vmul.f32 v50, v6  }
0x11d: {  	v7 =	vand.u32 $0xFF, v2;
	v21 =	vcvt.s32.f32 v21;
	v3 =	vshrl.u32 v29, $0x8;
	v58 =	vld.idx.msk [tilespmem:v35+s10+$0x0], $0xffff  }
0x11e: {  	v60 =	vld.idx.msk [tilespmem:v41+s13+$0x0], $0xffff;
	v57 =	vand.u32 $0xFFFFFF00, v29;
	v63 =	vcvt.s32.f32 v56;
	v2 =	vadd.f32 v6, v8  }
0x11f: {  	v16 =	vld.idx.msk [tilespmem:v16+s13+$0x0], $0xffff;
	v4 =	vand.u32 $0xFF, v3;
	v3 =	vand.u32 $0xFF, v52;
	v8 =	vand.u32 $0xFF, v5  }
0x120: {  	v35 =	vld.idx.msk [tilespmem:v35+s9+$0x0], $0xffff;
	v6 =	vand.u32 $0xFF, v17;
	v17 =	vcvt.s32.f32 v18;
	v18 =	vmul.f32 v2, v50  }
0x121: {  	v14 =	vsub.f32 v14, v63;
	v63 =	vld.idx.msk [tilespmem:v9+s11+$0x0], $0xffff;
	v2 =	vand.u32 $0xFF, v15;
	v15 =	vcvt.s32.f32 v20  }
0x122: {  	v20 =	vcvt.s32.f32 v54;
	v12 =	vsub.f32 v12, v17;
	v18 =	vadd.f32 v18, v58;
	v58 =	vld.idx.msk [tilespmem:v7+s12+$0x0], $0xffff  }
0x123: {  	v5 =	vand.u32 $0xFF, v22;
	v17 =	vcvt.s32.f32 v57;
	v11 =	vsub.f32 v11, v15;
	v15 =	vld.idx.msk [tilespmem:v9+s12+$0x0], $0xffff  }
0x124: {  	v30 =	vsub.f32 v30, v59;
	v13 =	vsub.f32 v13, v20;
	v22 =	vmul.f32 $3.906250000e-03, v12;
	v12 =	vld.idx.msk [tilespmem:v8+s12+$0x0], $0xffff  }
0x125: {  	v32 =	vsub.f32 v32, v21;
	v33 =	vsub.f32 v33, v17;
	v41 =	vld.idx.msk [tilespmem:v6+s12+$0x0], $0xffff;
	v18 =	vmul.f32 v18, v50  }
0x126: {  	v20 =	vmul.f32 $3.906250000e-03, v13;
	v13 =	vand.u32 $0xFF, v27;
	v27 =	vmul.f32 $3.906250000e-03, v30;
	v30 =	vld.idx.msk [tilespmem:v3+s12+$0x0], $0xffff  }
0x127: {  	v59 =	vld.idx.msk [tilespmem:v3+s11+$0x0], $0xffff;
	v17 =	vmul.f32 $3.906250000e-03, v14;
	v21 =	vmul.f32 $3.906250000e-03, v11;
	v11 =	vadd.f32 v18, v35  }
0x128: {  	v25 =	vadd.f32 v25, v39;
	v18 =	vmul.f32 $3.906250000e-03, v32;
	v32 =	vld.idx.msk [tilespmem:v5+s12+$0x0], $0xffff;
	v61 =	vmul.f32 v22, v58  }
0x129: {  	v28 =	vadd.f32 v28, v43;
	v35 =	vld.idx.msk [tilespmem:v4+s12+$0x0], $0xffff;
	v50 =	vmul.f32 v21, v15;
	v14 =	vmul.f32 v11, v16  }
0x12a: {  	v15 =	vand.u32 $0xFF, v46;
	v16 =	vmul.f32 $3.906250000e-03, v33;
	v33 =	vld.idx.msk [tilespmem:v7+s11+$0x0], $0xffff;
	v56 =	vmul.f32 v20, v12  }
0x12b: {  	v46 =	vld.idx.msk [tilespmem:v8+s11+$0x0], $0xffff;
	v12 =	vand.u32 $0xFF, v48;
	v41 =	vmul.f32 v18, v41;
	v58 =	vmul.f32 v27, v30  }
0x12c: {  	v48 =	vld.idx.msk [tilespmem:v5+s11+$0x0], $0xffff;
	v30 =	vadd.f32 v26, v42;
	v63 =	vadd.f32 v50, v63;
	v26 =	vmul.f32 v23, v53  }
0x12d: {  	s18 =	simm.s32 $0x2040;
	v23 =	vmul.f32 v25, v55;
	v62 =	vadd.f32 v14, v1;
	v14 =	vand.u32 $0xFF, v29;
	v29 =	vld.idx.msk [tilespmem:v6+s11+$0x0], $0xffff  }
0x12e: {  	[tilespmem:s18+$0x30] =	vst v10;
	v10 =	vand.u32 $0xFF, v40;
	v57 =	vld.idx.msk [tilespmem:v4+s11+$0x0], $0xffff;
	v25 =	vmul.f32 v28, v36;
	v40 =	vmul.f32 v17, v32  }
0x12f: {  	s17 =	simm.s32 $0x20C0;
	v52 =	vmul.f32 v16, v35;
	v35 =	vld.idx.msk [tilespmem:v9+s10+$0x0], $0xffff;
	v38 =	vmul.f32 v63, v21;
	v31 =	vadd.f32 v61, v33  }
0x130: {  	v11 =	vand.u32 $0xFF, v45;
	v24 =	vmul.f32 v30, v37;
	[tilespmem:s17+$0x30] =	vst v62;
	v62 =	vadd.f32 v19, v47;
	v19 =	vld.idx.msk [tilespmem:v7+s10+$0x0], $0xffff  }
0x131: {  	v32 =	vld.idx.msk [tilespmem:v8+s10+$0x0], $0xffff;
	v40 =	vadd.f32 v40, v48;
	v39 =	vmul.f32 v31, v22;
	v31 =	vadd.f32 v56, v46  }
0x132: {  	v30 =	vld.idx.msk [tilespmem:v5+s10+$0x0], $0xffff;
	v61 =	vmul.f32 v44, v49;
	v28 =	vmul.f32 v62, v60;
	v29 =	vadd.f32 v41, v29  }
0x133: {  	v41 =	vadd.f32 v52, v57;
	v33 =	vmul.f32 v40, v17;
	v37 =	vmul.f32 v31, v20;
	v31 =	vld.idx.msk [tilespmem:v6+s10+$0x0], $0xffff  }
0x134: {  	s20 =	simm.s32 $0x140;
	s19 =	simm.s32 $0x8;
	v40 =	vadd.f32 v58, v59;
	v42 =	vadd.f32 v61, v1;
	v36 =	vmul.f32 v29, v18;
	v29 =	vld.idx.msk [tilespmem:v4+s10+$0x0], $0xffff  }
.LBB2_8:
0x135: {  	v43 =	vld [tilespmem:s20+$0x30];
	s19 =	sadd.s32 $0x8, s19;
	v39 =	vadd.f32 v39, v19;
	v41 =	vmul.f32 v41, v16;
	v34 =	vadd.f32 v34, v1;
	v19 =	vmovc v27  }
0x136: {  	v35 =	vadd.f32 v38, v35;
	v26 =	vadd.f32 v26, v1;
	v27 =	vld [tilespmem:s20+$0xFFFFFFD0];
	p0 =	slt.u32 s19, $0x1F8;
	v38 =	vmul.f32 v40, v19;
	[tilespmem:s18+$0xFFFFFFC0] =	vst v42  }
0x137: {  	v32 =	vadd.f32 v37, v32;
	v40 =	vld [tilespmem:s20+$0xFFFFFFE0];
	v22 =	vmul.f32 v39, v22;
	[tilespmem:s18+$0xFFFFFFD0] =	vst v34;
	v34 =	vadd.f32 v23, v1  }
0x138: {  	v23 =	vmul.f32 v35, v21;
	v21 =	vadd.f32 v36, v31;
	v37 =	vld [tilespmem:s20+$0xFFFFFFF0];
	[tilespmem:s18+$0xFFFFFFE0] =	vst v26;
	v26 =	vadd.f32 v24, v1  }
0x139: {  	v24 =	vmul.f32 v32, v20;
	v20 =	vadd.f32 v33, v30;
	v30 =	vadd.f32 v25, v1;
	v31 =	vld [tilespmem:s20+$0x0];
	[tilespmem:s18+$0xFFFFFFF0] =	vst v34  }
0x13a: {  	v25 =	vmul.f32 v21, v18;
	v18 =	vadd.f32 v41, v29;
	v32 =	vld [tilespmem:s20+$0x10];
	v33 =	vmul.f32 $1.092266700e+04, v43;
	[tilespmem:s18+$0x0] =	vst v26  }
0x13b: {  	v26 =	vmul.f32 v20, v17;
	v17 =	vadd.f32 v28, v1;
	v21 =	vmul.f32 $1.092266700e+04, v27;
	v27 =	vld [tilespmem:s20+$0x20];
	[tilespmem:s18+$0x10] =	vst v30  }
0x13c: {  	v28 =	vmul.f32 v18, v16;
	v20 =	vld [tilespmem:s20+$0xFFFFFFC0];
	v29 =	vmul.f32 $1.092266700e+04, v40;
	v40 =	vadd.f32 $5.570560000e+05, v33  }
0x13d: {  	v16 =	vadd.f32 $5.570560000e+05, v21;
	v18 =	vmul.f32 $1.092266700e+04, v37;
	v21 =	vld.idx.msk [tilespmem:v3+s10+$0x0], $0xffff;
	[tilespmem:s18+$0x20] =	vst v17;
	s18 =	smov.u32 s17  }
0x13e: {  	v17 =	vadd.f32 $5.570560000e+05, v29;
	v30 =	vmul.f32 $1.092266700e+04, v31;
	v29 =	vtrunc.f32 v40;
	v7 =	vld.idx.msk [tilespmem:v7+s9+$0x0], $0xffff  }
0x13f: {  	v18 =	vadd.f32 $5.570560000e+05, v18;
	v31 =	vmul.f32 $1.092266700e+04, v32;
	v41 =	vcvt.f32.s32 v29;
	v29 =	vld.idx.msk [tilespmem:v9+s9+$0x0], $0xffff  }
0x140: {  	v9 =	vtrunc.f32 v16;
	v42 =	vadd.f32 $5.570560000e+05, v30;
	v27 =	vmul.f32 $1.092266700e+04, v27;
	v30 =	vld.idx.msk [tilespmem:v8+s9+$0x0], $0xffff  }
0x141: {  	v8 =	vmul.f32 $1.092266700e+04, v20;
	v20 =	vadd.f32 $5.570560000e+05, v31;
	v32 =	vshrl.u32 v41, $0x8;
	v31 =	vld.idx.msk [tilespmem:v6+s9+$0x0], $0xffff  }
0x142: {  	v6 =	vtrunc.f32 v17;
	v27 =	vadd.f32 $5.570560000e+05, v27;
	v43 =	vand.u32 $0xFF, v32;
	v32 =	vld.idx.msk [tilespmem:v5+s9+$0x0], $0xffff  }
0x143: {  	v5 =	vtrunc.f32 v18;
	v44 =	vadd.f32 $5.570560000e+05, v8;
	v8 =	vtrunc.f32 v42;
	v34 =	vld.idx.msk [tilespmem:v4+s9+$0x0], $0xffff  }
0x144: {  	v39 =	vadd.f32 v38, v21;
	v4 =	vtrunc.f32 v20;
	v45 =	vtrunc.f32 v27;
	v33 =	vld.idx.msk [tilespmem:v3+s9+$0x0], $0xffff  }
0x145: {  	v46 =	vcvt.f32.s32 v9;
	v36 =	vadd.f32 v22, v7;
	v3 =	vtrunc.f32 v44;
	v35 =	vld.idx.msk [tilespmem:v2+s13+$0x0], $0xffff  }
0x146: {  	v47 =	vcvt.f32.s32 v6;
	v2 =	vcvt.f32.s32 v3;
	v3 =	vand.u32 $0xFFFFFF00, v41;
	v37 =	vld.idx.msk [tilespmem:v13+s13+$0x0], $0xffff  }
0x147: {  	v6 =	vshrl.u32 v46, $0x8;
	v48 =	vcvt.f32.s32 v5;
	v3 =	vcvt.s32.f32 v3;
	v5 =	vld.idx.msk [tilespmem:v43+s12+$0x0], $0xffff  }
0x148: {  	v49 =	vcvt.f32.s32 v8;
	v50 =	vcvt.f32.s32 v4;
	v7 =	vshrl.u32 v2, $0x8;
	v38 =	vld.idx.msk [tilespmem:v11+s13+$0x0], $0xffff  }
0x149: {  	v4 =	vshrl.u32 v47, $0x8;
	v45 =	vcvt.f32.s32 v45;
	v3 =	vsub.f32 v40, v3;
	v11 =	vld.idx.msk [tilespmem:v43+s11+$0x0], $0xffff  }
0x14a: {  	v13 =	vshrl.u32 v48, $0x8;
	v21 =	vshrl.u32 v49, $0x8;
	v22 =	vshrl.u32 v50, $0x8;
	v40 =	vld.idx.msk [tilespmem:v15+s13+$0x0], $0xffff  }
0x14b: {  	v51 =	vshrl.u32 v45, $0x8;
	v15 =	vand.u32 $0xFFFFFF00, v2;
	v52 =	vmul.f32 $3.906250000e-03, v3;
	v53 =	vld.idx.msk [tilespmem:v12+s13+$0x0], $0xffff  }
0x14c: {  	v54 =	vand.u32 $0xFFFFFF00, v47;
	v55 =	vand.u32 $0xFFFFFF00, v48;
	v12 =	vand.u32 $0xFFFFFF00, v46;
	v56 =	vld.idx.msk [tilespmem:v14+s13+$0x0], $0xffff  }
0x14d: {  	v57 =	vand.u32 $0xFFFFFF00, v50;
	v14 =	vand.u32 $0xFFFFFF00, v49;
	v58 =	vld.idx.msk [tilespmem:v43+s10+$0x0], $0xffff;
	v3 =	vmul.f32 v52, v5  }
0x14e: {  	v41 =	vand.u32 $0xFF, v41;
	v59 =	vand.u32 $0xFFFFFF00, v45;
	v7 =	vand.u32 $0xFF, v7;
	v60 =	vld.idx.msk [tilespmem:v10+s13+$0x0], $0xffff  }
0x14f: {  	v9 =	vand.u32 $0xFF, v6;
	v8 =	vand.u32 $0xFF, v4;
	v10 =	vadd.f32 v3, v11  }
0x150: {  	v6 =	vand.u32 $0xFF, v13;
	v4 =	vand.u32 $0xFF, v22;
	v5 =	vand.u32 $0xFF, v21  }
0x151: {  	v11 =	vcvt.s32.f32 v15;
	v3 =	vand.u32 $0xFF, v51;
	v13 =	vld.idx.msk [tilespmem:v43+s9+$0x0], $0xffff;
	v10 =	vmul.f32 v10, v52  }
0x152: {  	v2 =	vand.u32 $0xFF, v2;
	v12 =	vcvt.s32.f32 v12;
	v15 =	vcvt.s32.f32 v54  }
0x153: {  	v21 =	vcvt.s32.f32 v55;
	v14 =	vcvt.s32.f32 v14;
	v41 =	vld.idx.msk [tilespmem:v41+s13+$0x0], $0xffff;
	v10 =	vadd.f32 v10, v58  }
0x154: {  	v51 =	vcvt.s32.f32 v59;
	v11 =	vsub.f32 v44, v11;
	v44 =	vcvt.s32.f32 v57;
	v43 =	vld.idx.msk [tilespmem:v7+s12+$0x0], $0xffff  }
0x155: {  	v12 =	vsub.f32 v16, v12;
	v15 =	vsub.f32 v17, v15;
	v54 =	vld.idx.msk [tilespmem:v9+s12+$0x0], $0xffff;
	v10 =	vmul.f32 v10, v52  }
0x156: {  	v14 =	vsub.f32 v42, v14;
	v22 =	vmul.f32 $3.906250000e-03, v11;
	v11 =	vsub.f32 v18, v21;
	v52 =	vld.idx.msk [tilespmem:v8+s12+$0x0], $0xffff  }
0x157: {  	v21 =	vmul.f32 $3.906250000e-03, v12;
	v12 =	vsub.f32 v20, v44;
	v42 =	vld.idx.msk [tilespmem:v6+s12+$0x0], $0xffff;
	v10 =	vadd.f32 v10, v13  }
0x158: {  	v20 =	vmul.f32 $3.906250000e-03, v15;
	v15 =	vsub.f32 v27, v51;
	v18 =	vmul.f32 $3.906250000e-03, v11;
	v44 =	vld.idx.msk [tilespmem:v5+s12+$0x0], $0xffff  }
0x159: {  	v17 =	vmul.f32 $3.906250000e-03, v14;
	v13 =	vand.u32 $0xFF, v46;
	v46 =	vld.idx.msk [tilespmem:v4+s12+$0x0], $0xffff;
	v10 =	vmul.f32 v10, v41  }
0x15a: {  	v11 =	vand.u32 $0xFF, v47;
	v16 =	vmul.f32 $3.906250000e-03, v12;
	v27 =	vmul.f32 $3.906250000e-03, v15;
	v41 =	vld.idx.msk [tilespmem:v3+s12+$0x0], $0xffff  }
0x15b: {  	v43 =	vmul.f32 v22, v43;
	v51 =	vmul.f32 v21, v54;
	v47 =	vld.idx.msk [tilespmem:v7+s11+$0x0], $0xffff;
	v54 =	vadd.f32 v10, v1  }
0x15c: {  	s17 =	sadd.s32 $0x80, s17;
	v15 =	vand.u32 $0xFF, v48;
	v12 =	vand.u32 $0xFF, v49;
	v52 =	vmul.f32 v20, v52;
	v55 =	vld.idx.msk [tilespmem:v9+s11+$0x0], $0xffff  }
0x15d: {  	v14 =	vand.u32 $0xFF, v50;
	v10 =	vand.u32 $0xFF, v45;
	v42 =	vmul.f32 v18, v42;
	v48 =	vld.idx.msk [tilespmem:v8+s11+$0x0], $0xffff;
	[tilespmem:s17+$0x30] =	vst v54  }
0x15e: {  	v23 =	vadd.f32 v23, v29;
	v19 =	vmul.f32 v39, v19;
	v44 =	vmul.f32 v17, v44;
	v45 =	vld.idx.msk [tilespmem:v6+s11+$0x0], $0xffff  }
0x15f: {  	v24 =	vadd.f32 v24, v30;
	v25 =	vadd.f32 v25, v31;
	v46 =	vmul.f32 v16, v46;
	v29 =	vld.idx.msk [tilespmem:v5+s11+$0x0], $0xffff  }
0x160: {  	v30 =	vadd.f32 v26, v32;
	v28 =	vadd.f32 v28, v34;
	v50 =	vmul.f32 v27, v41;
	v49 =	vld.idx.msk [tilespmem:v4+s11+$0x0], $0xffff  }
0x161: {  	v33 =	vadd.f32 v19, v33;
	v31 =	vadd.f32 v43, v47;
	v47 =	vmul.f32 v36, v35;
	v43 =	vld.idx.msk [tilespmem:v3+s11+$0x0], $0xffff  }
0x162: {  	v34 =	vmul.f32 v23, v37;
	v26 =	vmul.f32 v24, v38;
	v32 =	vadd.f32 v51, v55;
	v19 =	vld.idx.msk [tilespmem:v7+s10+$0x0], $0xffff  }
.Ltmp3:
0x163: {  	v23 =	vmul.f32 v25, v40;
	v39 =	vmul.f32 v31, v22;
	v31 =	vadd.f32 v52, v48;
	v35 =	vld.idx.msk [tilespmem:v9+s10+$0x0], $0xffff;
	(pc) =	sbr.rel @p0 .LBB2_8-.Ltmp3, $4  }
0x164: {  	v24 =	vmul.f32 v30, v53;
	v38 =	vmul.f32 v32, v21;
	v36 =	vadd.f32 v42, v45;
	v32 =	vld.idx.msk [tilespmem:v8+s10+$0x0], $0xffff  }
0x165: {  	v25 =	vmul.f32 v28, v56;
	v37 =	vmul.f32 v31, v20;
	v29 =	vadd.f32 v44, v29;
	v31 =	vld.idx.msk [tilespmem:v6+s10+$0x0], $0xffff  }
0x166: {  	v28 =	vmul.f32 v33, v60;
	v36 =	vmul.f32 v36, v18;
	v41 =	vadd.f32 v46, v49;
	v30 =	vld.idx.msk [tilespmem:v5+s10+$0x0], $0xffff  }
0x167: {  	s20 =	sadd.s32 $0x80, s20;
	v42 =	vadd.f32 v47, v1;
	v33 =	vmul.f32 v29, v17;
	v40 =	vadd.f32 v50, v43;
	v29 =	vld.idx.msk [tilespmem:v4+s10+$0x0], $0xffff  }
0x168: {  	_ =	sdelay $0x3  }
0x169: {  	v43 =	vld.idx.msk [tilespmem:v3+s10+$0x0], $0xffff  }
0x16a: {  	v7 =	vld.idx.msk [tilespmem:v7+s9+$0x0], $0xffff  }
0x16b: {  	v9 =	vld.idx.msk [tilespmem:v9+s9+$0x0], $0xffff  }
0x16c: {  	v8 =	vld.idx.msk [tilespmem:v8+s9+$0x0], $0xffff  }
0x16d: {  	v6 =	vld.idx.msk [tilespmem:v6+s9+$0x0], $0xffff  }
0x16e: {  	v5 =	vld.idx.msk [tilespmem:v5+s9+$0x0], $0xffff  }
0x16f: {  	v4 =	vld.idx.msk [tilespmem:v4+s9+$0x0], $0xffff  }
0x170: {  	v3 =	vld.idx.msk [tilespmem:v3+s9+$0x0], $0xffff  }
0x171: {  	v2 =	vld.idx.msk [tilespmem:v2+s13+$0x0], $0xffff  }
0x172: {  	v19 =	vadd.f32 v39, v19;
	v13 =	vld.idx.msk [tilespmem:v13+s13+$0x0], $0xffff  }
0x173: {  	v34 =	vadd.f32 v34, v1;
	v35 =	vadd.f32 v38, v35;
	v11 =	vld.idx.msk [tilespmem:v11+s13+$0x0], $0xffff  }
0x174: {  	v26 =	vadd.f32 v26, v1;
	v23 =	vadd.f32 v23, v1;
	v15 =	vld.idx.msk [tilespmem:v15+s13+$0x0], $0xffff  }
0x175: {  	v24 =	vadd.f32 v24, v1;
	v57 =	vadd.f32 v25, v1;
	v12 =	vld.idx.msk [tilespmem:v12+s13+$0x0], $0xffff  }
0x176: {  	v53 =	vmul.f32 v41, v16;
	v59 =	vadd.f32 v28, v1;
	v14 =	vld.idx.msk [tilespmem:v14+s13+$0x0], $0xffff;
	v55 =	vadd.f32 v37, v32  }
0x177: {  	v62 =	vld.idx.msk [tilespmem:v10+s13+$0x0], $0xffff;
	v54 =	vmul.f32 v40, v27;
	v19 =	vmul.f32 v19, v22;
	v31 =	vadd.f32 v36, v31  }
0x178: {  	[tilespmem:s18+$0xFFFFFFC0] =	vst v42;
	v21 =	vmul.f32 v35, v21;
	v20 =	vmul.f32 v55, v20;
	v56 =	vadd.f32 v33, v30  }
0x179: {  	[tilespmem:s18+$0xFFFFFFD0] =	vst v34;
	v18 =	vmul.f32 v31, v18;
	v58 =	vadd.f32 v53, v29;
	v7 =	vadd.f32 v19, v7  }
0x17a: {  	[tilespmem:s18+$0xFFFFFFE0] =	vst v26;
	v17 =	vmul.f32 v56, v17;
	v60 =	vadd.f32 v54, v43;
	v9 =	vadd.f32 v21, v9  }
0x17b: {  	[tilespmem:s18+$0xFFFFFFF0] =	vst v23;
	v61 =	vmul.f32 v58, v16;
	v6 =	vadd.f32 v18, v6;
	v2 =	vmul.f32 v7, v2  }
0x17c: {  	[tilespmem:s18+$0x0] =	vst v24;
	v8 =	vadd.f32 v20, v8;
	v63 =	vmul.f32 v60, v27;
	v9 =	vmul.f32 v9, v13  }
0x17d: {  	[tilespmem:s18+$0x10] =	vst v57;
	v4 =	vadd.f32 v61, v4;
	v6 =	vmul.f32 v6, v15;
	v2 =	vadd.f32 v2, v1  }
0x17e: {  	[tilespmem:s18+$0x20] =	vst v59;
	v5 =	vadd.f32 v17, v5;
	v8 =	vmul.f32 v8, v11;
	v9 =	vadd.f32 v9, v1  }
0x17f: {  	v3 =	vadd.f32 v63, v3;
	v4 =	vmul.f32 v4, v14;
	v6 =	vadd.f32 v6, v1;
	[tilespmem:s17+$0xFFFFFFC0] =	vst v2  }
0x180: {  	v5 =	vmul.f32 v5, v12;
	v2 =	vadd.f32 v8, v1;
	[tilespmem:s17+$0xFFFFFFD0] =	vst v9  }
0x181: {  	v3 =	vmul.f32 v3, v62;
	[tilespmem:s17+$0xFFFFFFF0] =	vst v6;
	v4 =	vadd.f32 v4, v1  }
0x182: {  	[tilespmem:s17+$0xFFFFFFE0] =	vst v2;
	v2 =	vadd.f32 v5, v1  }
0x183: {  	s16 =	sadd.s32 $0x1, s16;
	v1 =	vadd.f32 v3, v1;
	[tilespmem:s17+$0x10] =	vst v4  }
0x184: {  	p0 =	sne.s32 s16, s6;
	[tilespmem:s17+$0x0] =	vst v2  }
.Ltmp4:
0x185: {  	s0 =	simm.s32 $0x2000;
	[tilespmem:s17+$0x20] =	vst v1;
	(pc) =	sbr.rel @p0 .LBB2_1-.Ltmp4, $4  }
0x186: {  	[hbm4b:s5+s1] =	stream.linear.scatter [tilespmem:s0], [sflag:$0x3], $0x2000, $0x38;
	[tilespmem:$0x4A00] =	vst v63  }
0x187: {  	_ =	swait.ge [sflag:s15], $0x2000  }
0x188: {  	[sflag:s15] =	ssyncset.done $0x0  }
0x189: {  	[sflag:s15] =	ssyncadd.s32 $0xFFFFE000  }
0x18a: {  	_ =	sfence.sel $0x180000  }
0x18b: {  	[bflag:$0x0] =	sbarrier.arrive $0xFFFF  }
0x18c: {  	_ =	strace $0x90000047  }
0x18d: {  	s0 =	stileid.u32;
	[bflag:$0x2] =	sbarrier.arrive $0xFFFF  }
0x18e: {  	p0 =	sne.s32 s0, $0x0;
	s0 =	rddreg [dreg:$0x3]  }
0x18f: {  	s0 =	sadd.s32 @!p0 $0x100000, s0  }
0x190: {  	[sflag:s0] =	ssyncadd.tile.s32 @!p0 $0x1;
	_ =	shalt  }
.Lfunc_end2:
_tile_overlayer_lowered:
.L_overlay_start_2:
0x191: {  	(tag) =	ssettag $0x2  }
0x192: {  	s0 =	rddreg [dreg:$0x0];
	s2 =	stileid.u32  }
0x193: {  	s1 =	rddreg [dreg:$0x1];
	p0 =	sne.s32 s2, $0x0  }
0x194: {  	s3 =	rddreg [dreg:$0x2];
	[bflag:$0x3] =	sbarrier.arrive $0xFFFF;
	s2 =	simm.s32 @!p0 $0x1C03  }
0x195: {  	[timem:s3], [sflag:s2] =	dma.local @!p0 [hbm:s0], s1  }
0x196: {  	s0 =	simm.s32 @!p0 $0x3  }
0x197: {  	_ =	swait.ge @!p0 [sflag:s0], s1  }
0x198: {  	s1 =	ssub.s32 @!p0 $0x0, s1;
	[sflag:s0] =	ssyncset.done @!p0 $0x0  }
0x199: {  	[sflag:s0] =	ssyncadd.s32 @!p0 s1  }
0x19a: {  	[bflag:$0x3] =	sbarrier.arrive $0xFFFF  }
0x19b: {  	_ =	shalt  }

</sc_bundles>
